<compile_context>
chip_gen: v7x
topology: tpu7x:2x2x1
jax: 0.10.2.dev20260603
libtpu: 0.0.44.dev20260713+nightly
codegen_flags: <defaults>
</compile_context>

<pallas_src>
import functools

import jax
import jax.numpy as jnp
from jax import lax
from jax.experimental import pallas as pl
from jax.experimental.pallas import tpu as pltpu
from jax.experimental.pallas import tpu_sc as plsc

BATCH = 16384
FIELDS = 26
D = 64
B = BATCH * FIELDS
NW = 32
CHUNK = 128
ROWS_PER_W = B // NW
CH_PER_W = ROWS_PER_W // CHUNK
NBUF = 2

_COEFS = (
    -9.8719611294202e-07,
    1.8192777221918577e-05,
    -0.00020655130351230762,
    0.002080658900148311,
    -0.020832713479810427,
    0.24999997673756713,
)


@functools.partial(
    pl.kernel,
    out_type=jax.ShapeDtypeStruct((B, D), jnp.float32),
    mesh=plsc.VectorSubcoreMesh(core_axis_name="c", subcore_axis_name="s"),
    scratch_types=[
        pltpu.VMEM((CH_PER_W, CHUNK), jnp.int32),
        [pltpu.VMEM((CHUNK, D), jnp.float32) for _ in range(NBUF)],
        [pltpu.VMEM((CHUNK, D), jnp.float32) for _ in range(NBUF)],
        [pltpu.SemaphoreType.DMA for _ in range(NBUF)],
        [pltpu.SemaphoreType.DMA for _ in range(NBUF)],
    ],
    compiler_params=pltpu.CompilerParams(use_tc_tiling_on_sc=False),
)
def _emb_swish(idx_hbm, table_hbm, out_hbm, idx_v, gbuf, sbuf, gsem, ssem):
    wid = lax.axis_index("s") * 2 + lax.axis_index("c")
    base_chunk = wid * CH_PER_W
    pltpu.sync_copy(idx_hbm.at[pl.ds(base_chunk, CH_PER_W)], idx_v)

    def gather(g, b):
        return pltpu.make_async_copy(table_hbm.at[idx_v.at[g]], gbuf[b], gsem[b])

    def store(g, b):
        return pltpu.make_async_copy(
            sbuf[b], out_hbm.at[pl.ds((base_chunk + g) * CHUNK, CHUNK)], ssem[b]
        )

    for b in range(NBUF):
        gather(b, b).start()

    def outer(i, carry):
        for b in range(NBUF):
            g = i * NBUF + b
            gather(g, b).wait()

            @pl.when(g >= NBUF)
            def _():
                store(g, b).wait()

            def row_body(r, c, _b=b):
                for t in range(D // 16):
                    v = gbuf[_b][r, pl.ds(t * 16, 16)]
                    sbuf[_b][r, pl.ds(t * 16, 16)] = v / (1.0 + jnp.exp(-v))
                return c

            lax.fori_loop(0, CHUNK, row_body, 0)

            @pl.when(g + NBUF < CH_PER_W)
            def _():
                gather(g + NBUF, b).start()

            store(g, b).start()
        return carry

    lax.fori_loop(0, CH_PER_W // NBUF, outer, 0)
    for b in range(NBUF):
        store(0, b).wait()


def kernel(x, emb_weight):
    idx = x.astype(jnp.int32).reshape(CH_PER_W * NW, CHUNK)
    out = _emb_swish(idx, emb_weight)
    return out.reshape(BATCH, FIELDS, D)

# --- scband reference (transcript-rebuilt; emitter-appended) ---
"""Pipeline reference for scband-embedding-block-24163486008142 (READ-ONLY COPY).

The authoritative reference and input builder live on the scoring server;
editing this copy changes nothing except your own understanding.
"""

import jax, jax.numpy as jnp
import numpy as np
import math

NUM_ELEMENTS = 1000000
HIDDEN_CHANNELS = 64
BATCH = 16384
FIELDS = 26


def setup_inputs(seed: int = 0) -> dict:
    key = jax.random.key(seed)
    k_idx, k_emb = jax.random.split(key)
    x = jax.random.randint(k_idx, (BATCH, FIELDS), 0, NUM_ELEMENTS, dtype=jnp.int64 if jax.config.jax_enable_x64 else jnp.int32)
    s = math.sqrt(3.0)
    emb_weight = jax.random.uniform(k_emb, (NUM_ELEMENTS, HIDDEN_CHANNELS), dtype=jnp.float32, minval=-s, maxval=s)
    return {"x": x, "emb_weight": emb_weight}


def swish(x):
    return x * jax.nn.sigmoid(x)


def reference(x, emb_weight):
    # embedding lookup (gather) followed by swish activation
    h = jnp.take(emb_weight, x, axis=0)
    return swish(h)

if __name__ == "__main__":
    import jax
    _d = setup_inputs()
    print(jax.jit(kernel)(*tuple(_d.values())))

</pallas_src>

<mosaic_0001>
#map = affine_map<(d0, d1) -> (0, 0)>
module attributes {stable_mosaic.version = 14 : i64} {
  func.func @_emb_swish(%arg0: i32, %arg1: i32, %arg2: memref<3328x128xi32, #tpu.memory_space<hbm>>, %arg3: memref<1000000x64xf32, #tpu.memory_space<hbm>>, %arg4: memref<425984x64xf32, #tpu.memory_space<hbm>>, %arg5: memref<104x128xi32, #tpu.memory_space<vmem>>, %arg6: memref<128x64xf32, #tpu.memory_space<vmem>>, %arg7: memref<128x64xf32, #tpu.memory_space<vmem>>, %arg8: memref<128x64xf32, #tpu.memory_space<vmem>>, %arg9: memref<128x64xf32, #tpu.memory_space<vmem>>, %arg10: memref<!tpu.dma_semaphore, #tpu.memory_space<semaphore_mem>>, %arg11: memref<!tpu.dma_semaphore, #tpu.memory_space<semaphore_mem>>, %arg12: memref<!tpu.dma_semaphore, #tpu.memory_space<semaphore_mem>>, %arg13: memref<!tpu.dma_semaphore, #tpu.memory_space<semaphore_mem>>) attributes {dimension_semantics = [#tpu.dimension_semantics<core_parallel>, #tpu.dimension_semantics<subcore_parallel>], iteration_bounds = array<i64: 2, 16>, scalar_prefetch = 0 : i64, scratch_operands = 9 : i64, tpu.core_type = #tpu.core_type<sc_vector_subcore>, window_params = [{transform_indices = #map}, {transform_indices = #map}, {transform_indices = #map}]} {
    %mul3A = arith.constant 2 : i32
    %mul3A_0 = arith.muli %arg1, %mul3A : i32
    %add3A = arith.addi %mul3A_0, %arg0 : i32
    %mul3A_1 = arith.constant 104 : i32
    %mul3A_2 = arith.muli %add3A, %mul3A_1 : i32
    "tpu.region"() ({
      %run_scoped3A = tpu.sem_alloc : memref<!tpu.dma_semaphore, #tpu.memory_space<semaphore_mem>>
      %dma_start3A_36 = arith.constant 0 : i32
      %dma_start3A_37 = tpu.memref_slice %arg2[%mul3A_2, %dma_start3A_36] : memref<3328x128xi32, #tpu.memory_space<hbm>> -> memref<104x128xi32, #tpu.memory_space<hbm>>
      %dma_start3A_38 = arith.constant 0 : i32
      %dma_start3A_39 = tpu.memref_slice %arg2[%mul3A_2, %dma_start3A_38] : memref<3328x128xi32, #tpu.memory_space<hbm>> -> memref<104x128xi32, #tpu.memory_space<hbm>>
      tpu.enqueue_dma source(%dma_start3A_39 : memref<104x128xi32, #tpu.memory_space<hbm>>) target(%arg5 : memref<104x128xi32, #tpu.memory_space<vmem>>) target_semaphore(%run_scoped3A : memref<!tpu.dma_semaphore, #tpu.memory_space<semaphore_mem>>)
      %dma_wait3A_40 = arith.constant 0 : i32
      %dma_wait3A_41 = tpu.memref_slice %arg2[%mul3A_2, %dma_wait3A_40] : memref<3328x128xi32, #tpu.memory_space<hbm>> -> memref<104x128xi32, #tpu.memory_space<hbm>>
      %dma_wait3A_42 = arith.constant 0 : i32
      %dma_wait3A_43 = tpu.memref_slice %arg2[%mul3A_2, %dma_wait3A_42] : memref<3328x128xi32, #tpu.memory_space<hbm>> -> memref<104x128xi32, #tpu.memory_space<hbm>>
      tpu.wait_dma2 semaphore(%run_scoped3A : memref<!tpu.dma_semaphore, #tpu.memory_space<semaphore_mem>>) src(%dma_wait3A_43 : memref<104x128xi32, #tpu.memory_space<hbm>>) dst(%arg5 : memref<104x128xi32, #tpu.memory_space<vmem>>)
      tpu.yield
    }) : () -> ()
    %dma_start3A = arith.constant 0 : i32
    %dma_start3A_3 = arith.constant 0 : i32
    %dma_start3A_4 = tpu.memref_slice %arg5[%dma_start3A, %dma_start3A_3] : memref<104x128xi32, #tpu.memory_space<vmem>> -> memref<1x128xi32, #tpu.memory_space<vmem>>
    %dma_start3A_5 = tpu.memref_squeeze %dma_start3A_4 : memref<1x128xi32, #tpu.memory_space<vmem>> -> memref<128xi32, #tpu.memory_space<vmem>>
    %dma_start3A_6 = arith.constant 0 : i32
    %dma_start3A_7 = arith.constant 0 : i32
    %dma_start3A_8 = tpu.memref_slice %arg3[%dma_start3A_6, %dma_start3A_7] : memref<1000000x64xf32, #tpu.memory_space<hbm>> -> memref<1000000x64xf32, #tpu.memory_space<hbm>>
    tpu.enqueue_indirect_dma source(%dma_start3A_8 : memref<1000000x64xf32, #tpu.memory_space<hbm>>) target(%arg6 : memref<128x64xf32, #tpu.memory_space<vmem>>) offsets(%dma_start3A_5 : memref<128xi32, #tpu.memory_space<vmem>>) semaphore(%arg10 : memref<!tpu.dma_semaphore, #tpu.memory_space<semaphore_mem>>)
    %dma_start3A_9 = arith.constant 1 : i32
    %dma_start3A_10 = arith.constant 0 : i32
    %dma_start3A_11 = tpu.memref_slice %arg5[%dma_start3A_9, %dma_start3A_10] : memref<104x128xi32, #tpu.memory_space<vmem>> -> memref<1x128xi32, #tpu.memory_space<vmem>>
    %dma_start3A_12 = tpu.memref_squeeze %dma_start3A_11 : memref<1x128xi32, #tpu.memory_space<vmem>> -> memref<128xi32, #tpu.memory_space<vmem>>
    %dma_start3A_13 = arith.constant 0 : i32
    %dma_start3A_14 = arith.constant 0 : i32
    %dma_start3A_15 = tpu.memref_slice %arg3[%dma_start3A_13, %dma_start3A_14] : memref<1000000x64xf32, #tpu.memory_space<hbm>> -> memref<1000000x64xf32, #tpu.memory_space<hbm>>
    tpu.enqueue_indirect_dma source(%dma_start3A_15 : memref<1000000x64xf32, #tpu.memory_space<hbm>>) target(%arg7 : memref<128x64xf32, #tpu.memory_space<vmem>>) offsets(%dma_start3A_12 : memref<128xi32, #tpu.memory_space<vmem>>) semaphore(%arg11 : memref<!tpu.dma_semaphore, #tpu.memory_space<semaphore_mem>>)
    %scan3A = arith.constant 0 : i32
    %scan3A_16 = arith.constant 0 : i32
    %scan3A_17 = arith.constant 52 : i32
    %scan3A_18 = arith.addi %scan3A_16, %scan3A_17 : i32
    %scan3A_19 = arith.constant 1 : i32
    scf.for %scan3A_36 = %scan3A_16 to %scan3A_18 step %scan3A_19  : i32 {
      %mul3A_37 = arith.constant 2 : i32
      %mul3A_38 = arith.muli %scan3A_36, %mul3A_37 : i32
      %add3A_39 = arith.constant 0 : i32
      %add3A_40 = arith.addi %mul3A_38, %add3A_39 : i32
      %dma_wait3A_41 = arith.constant 0 : i32
      %dma_wait3A_42 = tpu.memref_slice %arg5[%add3A_40, %dma_wait3A_41] : memref<104x128xi32, #tpu.memory_space<vmem>> -> memref<1x128xi32, #tpu.memory_space<vmem>>
      %dma_wait3A_43 = tpu.memref_squeeze %dma_wait3A_42 : memref<1x128xi32, #tpu.memory_space<vmem>> -> memref<128xi32, #tpu.memory_space<vmem>>
      %dma_wait3A_44 = arith.constant 0 : i32
      %dma_wait3A_45 = arith.constant 0 : i32
      %dma_wait3A_46 = tpu.memref_slice %arg3[%dma_wait3A_44, %dma_wait3A_45] : memref<1000000x64xf32, #tpu.memory_space<hbm>> -> memref<1000000x64xf32, #tpu.memory_space<hbm>>
      tpu.wait_indirect_dma semaphore(%arg10 : memref<!tpu.dma_semaphore, #tpu.memory_space<semaphore_mem>>) src(%dma_wait3A_46 : memref<1000000x64xf32, #tpu.memory_space<hbm>>) dst(%arg6 : memref<128x64xf32, #tpu.memory_space<vmem>>)
      %ge3A = arith.constant 2 : i32
      %ge3A_47 = arith.cmpi sge, %add3A_40, %ge3A : i32
      %convert_element_type3A = arith.extui %ge3A_47 : i1 to i32
      %cond3A = arith.constant 0 : i32
      %cond3A_48 = arith.cmpi ne, %convert_element_type3A, %cond3A : i32
      scf.if %cond3A_48 {
        %add3A_103 = arith.addi %mul3A_2, %add3A_40 : i32
        %mul3A_104 = arith.constant 128 : i32
        %mul3A_105 = arith.muli %add3A_103, %mul3A_104 : i32
        %dma_wait3A_106 = arith.constant 0 : i32
        %dma_wait3A_107 = tpu.memref_slice %arg4[%mul3A_105, %dma_wait3A_106] : memref<425984x64xf32, #tpu.memory_space<hbm>> -> memref<128x64xf32, #tpu.memory_space<hbm>>
        %dma_wait3A_108 = arith.constant 0 : i32
        %dma_wait3A_109 = tpu.memref_slice %arg4[%mul3A_105, %dma_wait3A_108] : memref<425984x64xf32, #tpu.memory_space<hbm>> -> memref<128x64xf32, #tpu.memory_space<hbm>>
        tpu.wait_dma2 semaphore(%arg12 : memref<!tpu.dma_semaphore, #tpu.memory_space<semaphore_mem>>) src(%arg8 : memref<128x64xf32, #tpu.memory_space<vmem>>) dst(%dma_wait3A_109 : memref<128x64xf32, #tpu.memory_space<hbm>>)
      } else {
      }
      %scan3A_49 = arith.constant 0 : i32
      %scan3A_50 = arith.constant 0 : i32
      %scan3A_51 = arith.constant 128 : i32
      %scan3A_52 = arith.addi %scan3A_50, %scan3A_51 : i32
      %scan3A_53 = arith.constant 1 : i32
      scf.for %scan3A_103 = %scan3A_50 to %scan3A_52 step %scan3A_53  : i32 {
        %get3A = arith.index_cast %scan3A_103 : i32 to index
        %get3A_104 = arith.constant 0 : index
        %get3A_105 = tpu.vector_load %arg6[%get3A, %get3A_104] {strides = array<i32>} : memref<128x64xf32, #tpu.memory_space<vmem>>, vector<1x16xf32>,
        %get3A_106 = vector.shape_cast %get3A_105 : vector<1x16xf32> to vector<16xf32>
        %neg3A = arith.constant 0.000000e+00 : f32
        %neg3A_107 = vector.broadcast %neg3A : f32 to vector<16xf32>
        %neg3A_108 = arith.subf %neg3A_107, %get3A_106 : vector<16xf32>
        %exp3A = math.exp %neg3A_108 : vector<16xf32>
        %add3A_109 = arith.constant 1.000000e+00 : f32
        %add3A_110 = vector.broadcast %add3A_109 : f32 to vector<16xf32>
        %add3A_111 = arith.addf %add3A_110, %exp3A : vector<16xf32>
        %div3A = arith.divf %get3A_106, %add3A_111 : vector<16xf32>
        %swap3A = arith.index_cast %scan3A_103 : i32 to index
        %swap3A_112 = arith.constant 0 : index
        %swap3A_113 = tpu.vector_load %arg8[%swap3A, %swap3A_112] {strides = array<i32>} : memref<128x64xf32, #tpu.memory_space<vmem>>, vector<1x16xf32>,
        %swap3A_114 = vector.shape_cast %swap3A_113 : vector<1x16xf32> to vector<16xf32>
        %swap3A_115 = vector.shape_cast %div3A : vector<16xf32> to vector<1x16xf32>
        tpu.vector_store %arg8[%swap3A, %swap3A_112], %swap3A_115 {strides = array<i32>} : memref<128x64xf32, #tpu.memory_space<vmem>>, vector<1x16xf32>,
        %get3A_116 = arith.index_cast %scan3A_103 : i32 to index
        %get3A_117 = arith.constant 16 : index
        %get3A_118 = tpu.vector_load %arg6[%get3A_116, %get3A_117] {strides = array<i32>} : memref<128x64xf32, #tpu.memory_space<vmem>>, vector<1x16xf32>,
        %get3A_119 = vector.shape_cast %get3A_118 : vector<1x16xf32> to vector<16xf32>
        %neg3A_120 = arith.constant 0.000000e+00 : f32
        %neg3A_121 = vector.broadcast %neg3A_120 : f32 to vector<16xf32>
        %neg3A_122 = arith.subf %neg3A_121, %get3A_119 : vector<16xf32>
        %exp3A_123 = math.exp %neg3A_122 : vector<16xf32>
        %add3A_124 = arith.constant 1.000000e+00 : f32
        %add3A_125 = vector.broadcast %add3A_124 : f32 to vector<16xf32>
        %add3A_126 = arith.addf %add3A_125, %exp3A_123 : vector<16xf32>
        %div3A_127 = arith.divf %get3A_119, %add3A_126 : vector<16xf32>
        %swap3A_128 = arith.index_cast %scan3A_103 : i32 to index
        %swap3A_129 = arith.constant 16 : index
        %swap3A_130 = tpu.vector_load %arg8[%swap3A_128, %swap3A_129] {strides = array<i32>} : memref<128x64xf32, #tpu.memory_space<vmem>>, vector<1x16xf32>,
        %swap3A_131 = vector.shape_cast %swap3A_130 : vector<1x16xf32> to vector<16xf32>
        %swap3A_132 = vector.shape_cast %div3A_127 : vector<16xf32> to vector<1x16xf32>
        tpu.vector_store %arg8[%swap3A_128, %swap3A_129], %swap3A_132 {strides = array<i32>} : memref<128x64xf32, #tpu.memory_space<vmem>>, vector<1x16xf32>,
        %get3A_133 = arith.index_cast %scan3A_103 : i32 to index
        %get3A_134 = arith.constant 32 : index
        %get3A_135 = tpu.vector_load %arg6[%get3A_133, %get3A_134] {strides = array<i32>} : memref<128x64xf32, #tpu.memory_space<vmem>>, vector<1x16xf32>,
        %get3A_136 = vector.shape_cast %get3A_135 : vector<1x16xf32> to vector<16xf32>
        %neg3A_137 = arith.constant 0.000000e+00 : f32
        %neg3A_138 = vector.broadcast %neg3A_137 : f32 to vector<16xf32>
        %neg3A_139 = arith.subf %neg3A_138, %get3A_136 : vector<16xf32>
        %exp3A_140 = math.exp %neg3A_139 : vector<16xf32>
        %add3A_141 = arith.constant 1.000000e+00 : f32
        %add3A_142 = vector.broadcast %add3A_141 : f32 to vector<16xf32>
        %add3A_143 = arith.addf %add3A_142, %exp3A_140 : vector<16xf32>
        %div3A_144 = arith.divf %get3A_136, %add3A_143 : vector<16xf32>
        %swap3A_145 = arith.index_cast %scan3A_103 : i32 to index
        %swap3A_146 = arith.constant 32 : index
        %swap3A_147 = tpu.vector_load %arg8[%swap3A_145, %swap3A_146] {strides = array<i32>} : memref<128x64xf32, #tpu.memory_space<vmem>>, vector<1x16xf32>,
        %swap3A_148 = vector.shape_cast %swap3A_147 : vector<1x16xf32> to vector<16xf32>
        %swap3A_149 = vector.shape_cast %div3A_144 : vector<16xf32> to vector<1x16xf32>
        tpu.vector_store %arg8[%swap3A_145, %swap3A_146], %swap3A_149 {strides = array<i32>} : memref<128x64xf32, #tpu.memory_space<vmem>>, vector<1x16xf32>,
        %get3A_150 = arith.index_cast %scan3A_103 : i32 to index
        %get3A_151 = arith.constant 48 : index
        %get3A_152 = tpu.vector_load %arg6[%get3A_150, %get3A_151] {strides = array<i32>} : memref<128x64xf32, #tpu.memory_space<vmem>>, vector<1x16xf32>,
        %get3A_153 = vector.shape_cast %get3A_152 : vector<1x16xf32> to vector<16xf32>
        %neg3A_154 = arith.constant 0.000000e+00 : f32
        %neg3A_155 = vector.broadcast %neg3A_154 : f32 to vector<16xf32>
        %neg3A_156 = arith.subf %neg3A_155, %get3A_153 : vector<16xf32>
        %exp3A_157 = math.exp %neg3A_156 : vector<16xf32>
        %add3A_158 = arith.constant 1.000000e+00 : f32
        %add3A_159 = vector.broadcast %add3A_158 : f32 to vector<16xf32>
        %add3A_160 = arith.addf %add3A_159, %exp3A_157 : vector<16xf32>
        %div3A_161 = arith.divf %get3A_153, %add3A_160 : vector<16xf32>
        %swap3A_162 = arith.index_cast %scan3A_103 : i32 to index
        %swap3A_163 = arith.constant 48 : index
        %swap3A_164 = tpu.vector_load %arg8[%swap3A_162, %swap3A_163] {strides = array<i32>} : memref<128x64xf32, #tpu.memory_space<vmem>>, vector<1x16xf32>,
        %swap3A_165 = vector.shape_cast %swap3A_164 : vector<1x16xf32> to vector<16xf32>
        %swap3A_166 = vector.shape_cast %div3A_161 : vector<16xf32> to vector<1x16xf32>
        tpu.vector_store %arg8[%swap3A_162, %swap3A_163], %swap3A_166 {strides = array<i32>} : memref<128x64xf32, #tpu.memory_space<vmem>>, vector<1x16xf32>,
      }
      %scan3A_54 = arith.constant 128 : i32
      %add3A_55 = arith.constant 2 : i32
      %add3A_56 = arith.addi %add3A_40, %add3A_55 : i32
      %lt3A = arith.constant 104 : i32
      %lt3A_57 = arith.cmpi slt, %add3A_56, %lt3A : i32
      %convert_element_type3A_58 = arith.extui %lt3A_57 : i1 to i32
      %cond3A_59 = arith.constant 0 : i32
      %cond3A_60 = arith.cmpi ne, %convert_element_type3A_58, %cond3A_59 : i32
      scf.if %cond3A_60 {
        %add3A_103 = arith.constant 2 : i32
        %add3A_104 = arith.addi %add3A_40, %add3A_103 : i32
        %dma_start3A_105 = arith.constant 0 : i32
        %dma_start3A_106 = tpu.memref_slice %arg5[%add3A_104, %dma_start3A_105] : memref<104x128xi32, #tpu.memory_space<vmem>> -> memref<1x128xi32, #tpu.memory_space<vmem>>
        %dma_start3A_107 = tpu.memref_squeeze %dma_start3A_106 : memref<1x128xi32, #tpu.memory_space<vmem>> -> memref<128xi32, #tpu.memory_space<vmem>>
        %dma_start3A_108 = arith.constant 0 : i32
        %dma_start3A_109 = arith.constant 0 : i32
        %dma_start3A_110 = tpu.memref_slice %arg3[%dma_start3A_108, %dma_start3A_109] : memref<1000000x64xf32, #tpu.memory_space<hbm>> -> memref<1000000x64xf32, #tpu.memory_space<hbm>>
        tpu.enqueue_indirect_dma source(%dma_start3A_110 : memref<1000000x64xf32, #tpu.memory_space<hbm>>) target(%arg6 : memref<128x64xf32, #tpu.memory_space<vmem>>) offsets(%dma_start3A_107 : memref<128xi32, #tpu.memory_space<vmem>>) semaphore(%arg10 : memref<!tpu.dma_semaphore, #tpu.memory_space<semaphore_mem>>)
      } else {
      }
      %add3A_61 = arith.addi %mul3A_2, %add3A_40 : i32
      %mul3A_62 = arith.constant 128 : i32
      %mul3A_63 = arith.muli %add3A_61, %mul3A_62 : i32
      %dma_start3A_64 = arith.constant 0 : i32
      %dma_start3A_65 = tpu.memref_slice %arg4[%mul3A_63, %dma_start3A_64] : memref<425984x64xf32, #tpu.memory_space<hbm>> -> memref<128x64xf32, #tpu.memory_space<hbm>>
      %dma_start3A_66 = arith.constant 0 : i32
      %dma_start3A_67 = tpu.memref_slice %arg4[%mul3A_63, %dma_start3A_66] : memref<425984x64xf32, #tpu.memory_space<hbm>> -> memref<128x64xf32, #tpu.memory_space<hbm>>
      tpu.enqueue_dma source(%arg8 : memref<128x64xf32, #tpu.memory_space<vmem>>) target(%dma_start3A_67 : memref<128x64xf32, #tpu.memory_space<hbm>>) target_semaphore(%arg12 : memref<!tpu.dma_semaphore, #tpu.memory_space<semaphore_mem>>)
      %mul3A_68 = arith.constant 2 : i32
      %mul3A_69 = arith.muli %scan3A_36, %mul3A_68 : i32
      %add3A_70 = arith.constant 1 : i32
      %add3A_71 = arith.addi %mul3A_69, %add3A_70 : i32
      %dma_wait3A_72 = arith.constant 0 : i32
      %dma_wait3A_73 = tpu.memref_slice %arg5[%add3A_71, %dma_wait3A_72] : memref<104x128xi32, #tpu.memory_space<vmem>> -> memref<1x128xi32, #tpu.memory_space<vmem>>
      %dma_wait3A_74 = tpu.memref_squeeze %dma_wait3A_73 : memref<1x128xi32, #tpu.memory_space<vmem>> -> memref<128xi32, #tpu.memory_space<vmem>>
      %dma_wait3A_75 = arith.constant 0 : i32
      %dma_wait3A_76 = arith.constant 0 : i32
      %dma_wait3A_77 = tpu.memref_slice %arg3[%dma_wait3A_75, %dma_wait3A_76] : memref<1000000x64xf32, #tpu.memory_space<hbm>> -> memref<1000000x64xf32, #tpu.memory_space<hbm>>
      tpu.wait_indirect_dma semaphore(%arg11 : memref<!tpu.dma_semaphore, #tpu.memory_space<semaphore_mem>>) src(%dma_wait3A_77 : memref<1000000x64xf32, #tpu.memory_space<hbm>>) dst(%arg7 : memref<128x64xf32, #tpu.memory_space<vmem>>)
      %ge3A_78 = arith.constant 2 : i32
      %ge3A_79 = arith.cmpi sge, %add3A_71, %ge3A_78 : i32
      %convert_element_type3A_80 = arith.extui %ge3A_79 : i1 to i32
      %cond3A_81 = arith.constant 0 : i32
      %cond3A_82 = arith.cmpi ne, %convert_element_type3A_80, %cond3A_81 : i32
      scf.if %cond3A_82 {
        %add3A_103 = arith.addi %mul3A_2, %add3A_71 : i32
        %mul3A_104 = arith.constant 128 : i32
        %mul3A_105 = arith.muli %add3A_103, %mul3A_104 : i32
        %dma_wait3A_106 = arith.constant 0 : i32
        %dma_wait3A_107 = tpu.memref_slice %arg4[%mul3A_105, %dma_wait3A_106] : memref<425984x64xf32, #tpu.memory_space<hbm>> -> memref<128x64xf32, #tpu.memory_space<hbm>>
        %dma_wait3A_108 = arith.constant 0 : i32
        %dma_wait3A_109 = tpu.memref_slice %arg4[%mul3A_105, %dma_wait3A_108] : memref<425984x64xf32, #tpu.memory_space<hbm>> -> memref<128x64xf32, #tpu.memory_space<hbm>>
        tpu.wait_dma2 semaphore(%arg13 : memref<!tpu.dma_semaphore, #tpu.memory_space<semaphore_mem>>) src(%arg9 : memref<128x64xf32, #tpu.memory_space<vmem>>) dst(%dma_wait3A_109 : memref<128x64xf32, #tpu.memory_space<hbm>>)
      } else {
      }
      %scan3A_83 = arith.constant 0 : i32
      %scan3A_84 = arith.constant 0 : i32
      %scan3A_85 = arith.constant 128 : i32
      %scan3A_86 = arith.addi %scan3A_84, %scan3A_85 : i32
      %scan3A_87 = arith.constant 1 : i32
      scf.for %scan3A_103 = %scan3A_84 to %scan3A_86 step %scan3A_87  : i32 {
        %get3A = arith.index_cast %scan3A_103 : i32 to index
        %get3A_104 = arith.constant 0 : index
        %get3A_105 = tpu.vector_load %arg7[%get3A, %get3A_104] {strides = array<i32>} : memref<128x64xf32, #tpu.memory_space<vmem>>, vector<1x16xf32>,
        %get3A_106 = vector.shape_cast %get3A_105 : vector<1x16xf32> to vector<16xf32>
        %neg3A = arith.constant 0.000000e+00 : f32
        %neg3A_107 = vector.broadcast %neg3A : f32 to vector<16xf32>
        %neg3A_108 = arith.subf %neg3A_107, %get3A_106 : vector<16xf32>
        %exp3A = math.exp %neg3A_108 : vector<16xf32>
        %add3A_109 = arith.constant 1.000000e+00 : f32
        %add3A_110 = vector.broadcast %add3A_109 : f32 to vector<16xf32>
        %add3A_111 = arith.addf %add3A_110, %exp3A : vector<16xf32>
        %div3A = arith.divf %get3A_106, %add3A_111 : vector<16xf32>
        %swap3A = arith.index_cast %scan3A_103 : i32 to index
        %swap3A_112 = arith.constant 0 : index
        %swap3A_113 = tpu.vector_load %arg9[%swap3A, %swap3A_112] {strides = array<i32>} : memref<128x64xf32, #tpu.memory_space<vmem>>, vector<1x16xf32>,
        %swap3A_114 = vector.shape_cast %swap3A_113 : vector<1x16xf32> to vector<16xf32>
        %swap3A_115 = vector.shape_cast %div3A : vector<16xf32> to vector<1x16xf32>
        tpu.vector_store %arg9[%swap3A, %swap3A_112], %swap3A_115 {strides = array<i32>} : memref<128x64xf32, #tpu.memory_space<vmem>>, vector<1x16xf32>,
        %get3A_116 = arith.index_cast %scan3A_103 : i32 to index
        %get3A_117 = arith.constant 16 : index
        %get3A_118 = tpu.vector_load %arg7[%get3A_116, %get3A_117] {strides = array<i32>} : memref<128x64xf32, #tpu.memory_space<vmem>>, vector<1x16xf32>,
        %get3A_119 = vector.shape_cast %get3A_118 : vector<1x16xf32> to vector<16xf32>
        %neg3A_120 = arith.constant 0.000000e+00 : f32
        %neg3A_121 = vector.broadcast %neg3A_120 : f32 to vector<16xf32>
        %neg3A_122 = arith.subf %neg3A_121, %get3A_119 : vector<16xf32>
        %exp3A_123 = math.exp %neg3A_122 : vector<16xf32>
        %add3A_124 = arith.constant 1.000000e+00 : f32
        %add3A_125 = vector.broadcast %add3A_124 : f32 to vector<16xf32>
        %add3A_126 = arith.addf %add3A_125, %exp3A_123 : vector<16xf32>
        %div3A_127 = arith.divf %get3A_119, %add3A_126 : vector<16xf32>
        %swap3A_128 = arith.index_cast %scan3A_103 : i32 to index
        %swap3A_129 = arith.constant 16 : index
        %swap3A_130 = tpu.vector_load %arg9[%swap3A_128, %swap3A_129] {strides = array<i32>} : memref<128x64xf32, #tpu.memory_space<vmem>>, vector<1x16xf32>,
        %swap3A_131 = vector.shape_cast %swap3A_130 : vector<1x16xf32> to vector<16xf32>
        %swap3A_132 = vector.shape_cast %div3A_127 : vector<16xf32> to vector<1x16xf32>
        tpu.vector_store %arg9[%swap3A_128, %swap3A_129], %swap3A_132 {strides = array<i32>} : memref<128x64xf32, #tpu.memory_space<vmem>>, vector<1x16xf32>,
        %get3A_133 = arith.index_cast %scan3A_103 : i32 to index
        %get3A_134 = arith.constant 32 : index
        %get3A_135 = tpu.vector_load %arg7[%get3A_133, %get3A_134] {strides = array<i32>} : memref<128x64xf32, #tpu.memory_space<vmem>>, vector<1x16xf32>,
        %get3A_136 = vector.shape_cast %get3A_135 : vector<1x16xf32> to vector<16xf32>
        %neg3A_137 = arith.constant 0.000000e+00 : f32
        %neg3A_138 = vector.broadcast %neg3A_137 : f32 to vector<16xf32>
        %neg3A_139 = arith.subf %neg3A_138, %get3A_136 : vector<16xf32>
        %exp3A_140 = math.exp %neg3A_139 : vector<16xf32>
        %add3A_141 = arith.constant 1.000000e+00 : f32
        %add3A_142 = vector.broadcast %add3A_141 : f32 to vector<16xf32>
        %add3A_143 = arith.addf %add3A_142, %exp3A_140 : vector<16xf32>
        %div3A_144 = arith.divf %get3A_136, %add3A_143 : vector<16xf32>
        %swap3A_145 = arith.index_cast %scan3A_103 : i32 to index
        %swap3A_146 = arith.constant 32 : index
        %swap3A_147 = tpu.vector_load %arg9[%swap3A_145, %swap3A_146] {strides = array<i32>} : memref<128x64xf32, #tpu.memory_space<vmem>>, vector<1x16xf32>,
        %swap3A_148 = vector.shape_cast %swap3A_147 : vector<1x16xf32> to vector<16xf32>
        %swap3A_149 = vector.shape_cast %div3A_144 : vector<16xf32> to vector<1x16xf32>
        tpu.vector_store %arg9[%swap3A_145, %swap3A_146], %swap3A_149 {strides = array<i32>} : memref<128x64xf32, #tpu.memory_space<vmem>>, vector<1x16xf32>,
        %get3A_150 = arith.index_cast %scan3A_103 : i32 to index
        %get3A_151 = arith.constant 48 : index
        %get3A_152 = tpu.vector_load %arg7[%get3A_150, %get3A_151] {strides = array<i32>} : memref<128x64xf32, #tpu.memory_space<vmem>>, vector<1x16xf32>,
        %get3A_153 = vector.shape_cast %get3A_152 : vector<1x16xf32> to vector<16xf32>
        %neg3A_154 = arith.constant 0.000000e+00 : f32
        %neg3A_155 = vector.broadcast %neg3A_154 : f32 to vector<16xf32>
        %neg3A_156 = arith.subf %neg3A_155, %get3A_153 : vector<16xf32>
        %exp3A_157 = math.exp %neg3A_156 : vector<16xf32>
        %add3A_158 = arith.constant 1.000000e+00 : f32
        %add3A_159 = vector.broadcast %add3A_158 : f32 to vector<16xf32>
        %add3A_160 = arith.addf %add3A_159, %exp3A_157 : vector<16xf32>
        %div3A_161 = arith.divf %get3A_153, %add3A_160 : vector<16xf32>
        %swap3A_162 = arith.index_cast %scan3A_103 : i32 to index
        %swap3A_163 = arith.constant 48 : index
        %swap3A_164 = tpu.vector_load %arg9[%swap3A_162, %swap3A_163] {strides = array<i32>} : memref<128x64xf32, #tpu.memory_space<vmem>>, vector<1x16xf32>,
        %swap3A_165 = vector.shape_cast %swap3A_164 : vector<1x16xf32> to vector<16xf32>
        %swap3A_166 = vector.shape_cast %div3A_161 : vector<16xf32> to vector<1x16xf32>
        tpu.vector_store %arg9[%swap3A_162, %swap3A_163], %swap3A_166 {strides = array<i32>} : memref<128x64xf32, #tpu.memory_space<vmem>>, vector<1x16xf32>,
      }
      %scan3A_88 = arith.constant 128 : i32
      %add3A_89 = arith.constant 2 : i32
      %add3A_90 = arith.addi %add3A_71, %add3A_89 : i32
      %lt3A_91 = arith.constant 104 : i32
      %lt3A_92 = arith.cmpi slt, %add3A_90, %lt3A_91 : i32
      %convert_element_type3A_93 = arith.extui %lt3A_92 : i1 to i32
      %cond3A_94 = arith.constant 0 : i32
      %cond3A_95 = arith.cmpi ne, %convert_element_type3A_93, %cond3A_94 : i32
      scf.if %cond3A_95 {
        %add3A_103 = arith.constant 2 : i32
        %add3A_104 = arith.addi %add3A_71, %add3A_103 : i32
        %dma_start3A_105 = arith.constant 0 : i32
        %dma_start3A_106 = tpu.memref_slice %arg5[%add3A_104, %dma_start3A_105] : memref<104x128xi32, #tpu.memory_space<vmem>> -> memref<1x128xi32, #tpu.memory_space<vmem>>
        %dma_start3A_107 = tpu.memref_squeeze %dma_start3A_106 : memref<1x128xi32, #tpu.memory_space<vmem>> -> memref<128xi32, #tpu.memory_space<vmem>>
        %dma_start3A_108 = arith.constant 0 : i32
        %dma_start3A_109 = arith.constant 0 : i32
        %dma_start3A_110 = tpu.memref_slice %arg3[%dma_start3A_108, %dma_start3A_109] : memref<1000000x64xf32, #tpu.memory_space<hbm>> -> memref<1000000x64xf32, #tpu.memory_space<hbm>>
        tpu.enqueue_indirect_dma source(%dma_start3A_110 : memref<1000000x64xf32, #tpu.memory_space<hbm>>) target(%arg7 : memref<128x64xf32, #tpu.memory_space<vmem>>) offsets(%dma_start3A_107 : memref<128xi32, #tpu.memory_space<vmem>>) semaphore(%arg11 : memref<!tpu.dma_semaphore, #tpu.memory_space<semaphore_mem>>)
      } else {
      }
      %add3A_96 = arith.addi %mul3A_2, %add3A_71 : i32
      %mul3A_97 = arith.constant 128 : i32
      %mul3A_98 = arith.muli %add3A_96, %mul3A_97 : i32
      %dma_start3A_99 = arith.constant 0 : i32
      %dma_start3A_100 = tpu.memref_slice %arg4[%mul3A_98, %dma_start3A_99] : memref<425984x64xf32, #tpu.memory_space<hbm>> -> memref<128x64xf32, #tpu.memory_space<hbm>>
      %dma_start3A_101 = arith.constant 0 : i32
      %dma_start3A_102 = tpu.memref_slice %arg4[%mul3A_98, %dma_start3A_101] : memref<425984x64xf32, #tpu.memory_space<hbm>> -> memref<128x64xf32, #tpu.memory_space<hbm>>
      tpu.enqueue_dma source(%arg9 : memref<128x64xf32, #tpu.memory_space<vmem>>) target(%dma_start3A_102 : memref<128x64xf32, #tpu.memory_space<hbm>>) target_semaphore(%arg13 : memref<!tpu.dma_semaphore, #tpu.memory_space<semaphore_mem>>)
    }
    %scan3A_20 = arith.constant 52 : i32
    %add3A_21 = arith.constant 0 : i32
    %add3A_22 = arith.addi %mul3A_2, %add3A_21 : i32
    %mul3A_23 = arith.constant 128 : i32
    %mul3A_24 = arith.muli %add3A_22, %mul3A_23 : i32
    %dma_wait3A = arith.constant 0 : i32
    %dma_wait3A_25 = tpu.memref_slice %arg4[%mul3A_24, %dma_wait3A] : memref<425984x64xf32, #tpu.memory_space<hbm>> -> memref<128x64xf32, #tpu.memory_space<hbm>>
    %dma_wait3A_26 = arith.constant 0 : i32
    %dma_wait3A_27 = tpu.memref_slice %arg4[%mul3A_24, %dma_wait3A_26] : memref<425984x64xf32, #tpu.memory_space<hbm>> -> memref<128x64xf32, #tpu.memory_space<hbm>>
    tpu.wait_dma2 semaphore(%arg12 : memref<!tpu.dma_semaphore, #tpu.memory_space<semaphore_mem>>) src(%arg8 : memref<128x64xf32, #tpu.memory_space<vmem>>) dst(%dma_wait3A_27 : memref<128x64xf32, #tpu.memory_space<hbm>>)
    %add3A_28 = arith.constant 0 : i32
    %add3A_29 = arith.addi %mul3A_2, %add3A_28 : i32
    %mul3A_30 = arith.constant 128 : i32
    %mul3A_31 = arith.muli %add3A_29, %mul3A_30 : i32
    %dma_wait3A_32 = arith.constant 0 : i32
    %dma_wait3A_33 = tpu.memref_slice %arg4[%mul3A_31, %dma_wait3A_32] : memref<425984x64xf32, #tpu.memory_space<hbm>> -> memref<128x64xf32, #tpu.memory_space<hbm>>
    %dma_wait3A_34 = arith.constant 0 : i32
    %dma_wait3A_35 = tpu.memref_slice %arg4[%mul3A_31, %dma_wait3A_34] : memref<425984x64xf32, #tpu.memory_space<hbm>> -> memref<128x64xf32, #tpu.memory_space<hbm>>
    tpu.wait_dma2 semaphore(%arg13 : memref<!tpu.dma_semaphore, #tpu.memory_space<semaphore_mem>>) src(%arg9 : memref<128x64xf32, #tpu.memory_space<vmem>>) dst(%dma_wait3A_35 : memref<128x64xf32, #tpu.memory_space<hbm>>)
    return
  }
}

</mosaic_0001>

<sc_bundles>
// kernel: kernel.3.cloned.1.call-start
scs
__scs_entry_jumppad:
0x0: {  	(pc) =	sbr.rel $0x88, $3  }
0x1: {  	(tag) =	ssettag $0x0;
	lr =	simm.s32 $0x1  }
0x2: {  	[smem:$0x3F9F] =	sst lr;
	_ =	strace $0xD0000000  }
0x3: {  	_ = 	snop  }
0x4: {  	_ = 	snop  }
0x5: {  	_ = 	snop  }
0x6: {  	_ = 	snop  }
0x7: {  	_ = 	snop  }
__scs_overlays_trampoline_lowered:
0x8: {  	[smem:$0x3FAE] =	sst s0  }
0x9: {  	[smem:$0x3FAF] =	sst s1  }
0xa: {  	[smem:$0x3FB0] =	sst s2  }
0xb: {  	[smem:$0x3FB1] =	sst s3  }
0xc: {  	[smem:$0x3FB2] =	sst s4  }
0xd: {  	[smem:$0x3FB3] =	sst s5  }
0xe: {  	[smem:$0x3FB4] =	sst s6  }
0xf: {  	[smem:$0x3FB5] =	sst s7  }
0x10: {  	[smem:$0x3FB6] =	sst s8  }
0x11: {  	[smem:$0x3FB7] =	sst s9;
	s0 =	simm.s32 @!p0 $0x0  }
0x12: {  	s1 =	sld [smem:$0x3F9D];
	s0 =	simm.s32 @p0 $0x1  }
0x13: {  	[smem:$0x3FB8] =	sst s0;
	s0 =	simm.s32 @!p1 $0x0  }
0x14: {  	s2 =	sld [smem:$0x3F9C];
	s0 =	simm.s32 @p1 $0x1  }
0x15: {  	[smem:$0x3FB9] =	sst s0;
	s0 =	simm.s32 @!p2 $0x0  }
0x16: {  	s3 =	sld [smem:$0x3FDB];
	s0 =	simm.s32 @p2 $0x1  }
0x17: {  	s4 =	simm.s32 $0x1BF5;
	[smem:$0x3FBB] =	sst s0  }
0x18: {  	s0 =	sld [smem:$0x3F9E];
	_ =	swait.ge [sflag:s4], $0x0  }
0x19: {  	s7 =	sld [smem:$0x3F9F]  }
0x1a: {  	s8 =	sadd.s32 $0xFFFFE003, lr  }
0x1b: {  	s9 =	sadd.s32 $0xFFFFFEF7, lr;
	s5 =	simm.s32 $0xFFFFFFFF;
	p2 =	slt.u32 s8, $0xFFFFF086  }
0x1c: {  	p1 =	slt.u32 s9, $0xF7A;
	s5 =	simm.s32 @!p2 $0x0  }
0x1d: {  	s5 =	simm.s32 @p1 $0x1;
	p0 =	seq.s32 s7, s2  }
0x1e: {  	s7 =	smul.u32 @!p0 $0xF7A, s2;
	p2 =	seq.s32 @!p0 s5, $0x0  }
0x1f: {  	s9 =	smul.u32 $0xF7A, s1;
	s8 =	simm.s32 @!p0 $0x1BF5;
	p2 =	por !p2, p0  }
0x20: {  	[sflag:s8] =	ssyncset.s32 @!p0 $0xFFFFF086;
	s6 =	sadd.s32 @!p0 s3, s7;
	s7 =	simm.s32 @!p0 $0x108  }
0x21: {  	s3 =	sadd.s32 s3, s9;
	s6 =	sadd.s32 @!p0 $0x88, s6;
	s7 =	simm.s32 @p2 $0x1082  }
0x22: {  	[simem:s7], [sflag:s8] =	dma.local @!p0 [hbm:s6], $0xF7A  }
0x23: {  	s9 =	sor.u32 $0xD0000000, s2;
	s6 =	simm.s32 $0x108;
	_ =	swait.ge @!p0 [sflag:s8], $0x0  }
0x24: {  	s3 =	sadd.s32 $0x88, s3;
	s6 =	simm.s32 @!p1 $0x1082;
	[sflag:s4] =	ssyncset.s32 $0xFFFFF086  }
0x25: {  	[simem:s6], [sflag:s4] =	dma.local [hbm:s3], $0xF7A  }
0x26: {  	[smem:$0x3F9F] =	sst s1;
	(tag) =	ssettag s2;
	_ =	strace s9  }
0x27: {  	s1 =	sld [smem:$0x3FAF]  }
0x28: {  	s2 =	sld [smem:$0x3FB0]  }
0x29: {  	s4 =	sld [smem:$0x3FB2]  }
0x2a: {  	p0 =	seq.s32 s5, $0x0;
	s5 =	sld [smem:$0x3FB3]  }
0x2b: {  	s6 =	sld [smem:$0x3FB4]  }
0x2c: {  	s7 =	sld [smem:$0x3FB5]  }
0x2d: {  	s3 =	simm.s32 $0x108;
	s8 =	sld [smem:$0x3FB6]  }
0x2e: {  	s3 =	simm.s32 @!p0 $0x1082;
	s9 =	sld [smem:$0x3FB7]  }
0x2f: {  	lr =	sadd.s32 s0, s3;
	s0 =	sld [smem:$0x3FAE]  }
0x30: {  	s3 =	sld [smem:$0x3FB1]  }
0x31: {  	[smem:$0x3FBA] =	sst s10  }
0x32: {  	s10 =	sld [smem:$0x3FB8];
	_ =	sdelay $0x3  }
0x33: {  	p0 =	seq.s32 s10, $0x1;
	s10 =	sld [smem:$0x3FBA];
	_ =	sdelay $0x3  }
0x34: {  	[smem:$0x3FBA] =	sst s10  }
0x35: {  	s10 =	sld [smem:$0x3FB9];
	_ =	sdelay $0x3  }
0x36: {  	p1 =	seq.s32 s10, $0x1;
	s10 =	sld [smem:$0x3FBA];
	_ =	sdelay $0x3  }
0x37: {  	[smem:$0x3FBA] =	sst s10  }
0x38: {  	s10 =	sld [smem:$0x3FBB]  }
0x39: {  	_ = 	snop;
	(pc) =	sbr.ind lr, $3  }
0x3a: {  	_ = 	snop  }
0x3b: {  	_ = 	snop  }
0x3c: {  	p2 =	seq.s32 s10, $0x1;
	s10 =	sld [smem:$0x3FBA]  }
0x3d: {  	_ =	shalt  }
0x3e: {  	_ =	shalt  }
0x3f: {  	_ =	shalt  }
0x40: {  	_ =	shalt  }
0x41: {  	_ =	shalt  }
0x42: {  	_ =	shalt  }
0x43: {  	_ =	shalt  }
0x44: {  	_ =	shalt  }
0x45: {  	_ =	shalt  }
0x46: {  	_ =	shalt  }
0x47: {  	_ =	shalt  }
0x48: {  	_ =	shalt  }
0x49: {  	_ =	shalt  }
0x4a: {  	_ =	shalt  }
0x4b: {  	_ =	shalt  }
0x4c: {  	_ =	shalt  }
0x4d: {  	_ =	shalt  }
0x4e: {  	_ =	shalt  }
0x4f: {  	_ =	shalt  }
0x50: {  	_ =	shalt  }
0x51: {  	_ =	shalt  }
0x52: {  	_ =	shalt  }
0x53: {  	_ =	shalt  }
0x54: {  	_ =	shalt  }
0x55: {  	_ =	shalt  }
0x56: {  	_ =	shalt  }
0x57: {  	_ =	shalt  }
0x58: {  	_ =	shalt  }
0x59: {  	_ =	shalt  }
0x5a: {  	_ =	shalt  }
0x5b: {  	_ =	shalt  }
0x5c: {  	_ =	shalt  }
0x5d: {  	_ =	shalt  }
0x5e: {  	_ =	shalt  }
0x5f: {  	_ =	shalt  }
0x60: {  	_ =	shalt  }
0x61: {  	_ =	shalt  }
0x62: {  	_ =	shalt  }
0x63: {  	_ =	shalt  }
0x64: {  	_ =	shalt  }
0x65: {  	_ =	shalt  }
0x66: {  	_ =	shalt  }
0x67: {  	_ =	shalt  }
0x68: {  	_ =	shalt  }
0x69: {  	_ =	shalt  }
0x6a: {  	_ =	shalt  }
0x6b: {  	_ =	shalt  }
0x6c: {  	_ =	shalt  }
0x6d: {  	_ =	shalt  }
0x6e: {  	_ =	shalt  }
0x6f: {  	_ =	shalt  }
0x70: {  	_ =	shalt  }
0x71: {  	_ =	shalt  }
0x72: {  	_ =	shalt  }
0x73: {  	_ =	shalt  }
0x74: {  	_ =	shalt  }
0x75: {  	_ =	shalt  }
0x76: {  	_ =	shalt  }
0x77: {  	_ =	shalt  }
0x78: {  	_ =	shalt  }
0x79: {  	_ =	shalt  }
0x7a: {  	_ =	shalt  }
0x7b: {  	_ =	shalt  }
0x7c: {  	_ =	shalt  }
0x7d: {  	_ =	shalt  }
0x7e: {  	_ =	shalt  }
0x7f: {  	_ =	shalt  }
0x80: {  	_ =	shalt  }
0x81: {  	_ =	shalt  }
0x82: {  	_ =	shalt  }
0x83: {  	_ =	shalt  }
0x84: {  	_ =	shalt  }
0x85: {  	_ =	shalt  }
0x86: {  	_ =	shalt  }
0x87: {  	_ =	shalt  }
.Lfunc_end0:
.L_simem_size_0:
called_computation.1_lowered:
.L_overlay_start_0:
0x88: {  	s2 =	sld [smem:$0x3FD9]  }
0x89: {  	s3 =	sld [smem:$0x3FFE];
	_ =	sdelay $0x1  }
0x8a: {  	s1 =	srdreg.scid  }
0x8b: {  	s0 =	sand.u32 $0x1, s1  }
0x8c: {  	s17 =	sshll.u32 s0, $0xA;
	s2 =	sadd.s32 s3, s2  }
0x8d: {  	s2 =	sadd.s32 s2, s17  }
0x8e: {  	[smem:$0x3FC6] =	sst s2  }
0x8f: {  	_ = 	snop  }
0x90: {  	s2 =	sld [smem:$0x3FD0];
	(tm) =	ssettm $0x1  }
0x91: {  	s18 =	sld [smem:$0x3FFB];
	_ =	sdelay $0x3  }
0x92: {  	_ =	strace s18  }
0x93: {  	s3 =	sld [smem:$0x3FFC];
	_ =	sdelay $0x3  }
0x94: {  	_ =	strace s3  }
0x95: {  	s3 =	sld [smem:$0x3FFD];
	_ =	sdelay $0x3  }
0x96: {  	_ =	strace s3  }
0x97: {  	_ =	strace $0x8FFFFFFF  }
0x98: {  	s19 =	sld [smem:$0x3FDB];
	_ =	sdelay $0x1  }
0x99: {  	s4 =	simm.s32 $_scs_section_size  }
0x9a: {  	s5 =	simm.s32 $_size__tile_overlayer_lowered;
	s6 =	simm.s32 $_tile_overlayer_lowered  }
0x9b: {  	s22 =	simm.s32 $0x1BFF;
	s21 =	sshll.u32 s6, $0x1;
	s3 =	sadd.s32 s4, s19  }
0x9c: {  	s7 =	simm.s32 $0x0;
	s20 =	sshll.u32 s5, $0x1;
	s5 =	sadd.s32 s21, s3  }
0x9d: {  	[timem:s7], [sflag:s22] =	dma.local [hbm:s5], s20  }
0x9e: {  	_ =	swait.ge [sflag:s22], s20  }
0x9f: {  	s4 =	ssub.s32 $0x0, s20;
	[sflag:s22] =	ssyncset.done $0x0  }
0xa0: {  	[sflag:s22] =	ssyncadd.s32 s4;
	_ =	sdelay $0x1  }
0xa1: {  	s23 =	simm.s32 $0x1B8B  }
0xa2: {  	_ =	swait.ge [sflag:s23], $0x1  }
0xa3: {  	[sflag:s23] =	ssyncset.done $0x0  }
0xa4: {  	s25 =	simm.s32 $0x1B8E;
	s24 =	sld [smem:$0x3FFE];
	[sflag:s23] =	ssyncadd.s32 $0xFFFFFFFF  }
0xa5: {  	s26 =	simm.s32 $execute0_lowered;
	[smem:$0x3FD2] =	sst s25  }
0xa6: {  	s5 =	sshll.u32 s26, $0x1;
	_ =	strace $0x80000046;
	[dreg:$0x1] =	wrdreg $0xFFFFFFFF  }
0xa7: {  	s28 =	simm.s32 $_size_execute0_lowered;
	s3 =	sadd.s32 s3, s5;
	[dreg:$0x0] =	wrdreg $0x0  }
0xa8: {  	s5 =	sshll.u32 s28, $0x1;
	[dreg:$0x2] =	wrdreg s3  }
0xa9: {  	[dreg:$0x3] =	wrdreg s5  }
0xaa: {  	[dreg:$0x4] =	wrdreg $0xC0  }
0xab: {  	_ =	task [dreg:s7], $0x5FFFF  }
0xac: {  	[dreg:$0x1] =	wrdreg $0xFFFFFFFF  }
0xad: {  	[dreg:$0x0] =	wrdreg $0x60  }
0xae: {  	[dreg:$0x2] =	wrdreg s24  }
0xaf: {  	[dreg:$0x3] =	wrdreg s2  }
0xb0: {  	[dreg:$0x4] =	wrdreg $0x9  }
0xb1: {  	_ =	task.clear_ibuf [dreg:s7], $0x5FFFF;
	_ =	strace $0x90000046  }
0xb2: {  	s29 =	simm.s32 $0x9;
	_ =	strace $0x80000048  }
0xb3: {  	_ =	swait.ge [sflag:s29], $0x1  }
0xb4: {  	[sflag:s29] =	ssyncadd.s32 $0xFFFFFFFF  }
0xb5: {  	_ =	strace $0x90000048  }
0xb6: {  	_ =	sfence  }
0xb7: {  	s30 =	sld [smem:$0x0];
	_ =	sdelay $0x2  }
0xb8: {  	s31 =	sshll.u32 s1, $0xD;
	s1 =	sshrl.u32 s1, $0x2  }
0xb9: {  	s3 =	sand.u32 $0x4000, s31;
	s1 =	sadd.s32 s1, s30  }
0xba: {  	s0 =	sor.u32 s3, s0;
	s1 =	sshll.u32 s1, $0x11  }
0xbb: {  	s0 =	sor.u32 s1, s0  }
0xbc: {  	s0 =	sadd.s32 $0x8F2B, s0  }
0xbd: {  	[sflag:s0] =	ssyncadd.remote.s32 $0x1  }
0xbe: {  	_ =	sfence.sel $0xFFFF  }
0xbf: {  	[dreg:$0x0] =	wrdreg $0xFFFFFFFF;
	(pc) =	sbr.abs _section_cstart, $3  }
0xc0: {  	[dreg:$0x1] =	wrdreg $0xFFFFFFFF  }
0xc1: {  	_ =	task.clear_ibuf [dreg:s7], $0x2FFFF;
	_ =	strace $0x9FFFFFFF  }
0xc2: {  	(tm) =	ssettm $0x7FFFFFFF  }
0xc3: {  	_ =	shalt  }
tec
execute0_lowered:
.L_overlay_start_1:
0x0: {  	(tag) =	ssettag $0x1  }
0x1: {  	s5 =	rddreg [dreg:$0x0];
	s1 =	srdreg.scid  }
0x2: {  	s0 =	stileid.u32;
	s2 =	rddreg [dreg:$0x1];
	s3 =	simm.s32 $0x0  }
0x3: {  	s9 =	simm.s32 $0x5;
	s10 =	simm.s32 $0x80;
	s11 =	simm.s32 $0x3400  }
0x4: {  	s12 =	simm.s32 $0x5400;
	s13 =	simm.s32 $0x1;
	s14 =	simm.s32 $0x7400  }
0x5: {  	s15 =	simm.s32 $0x2;
	s16 =	simm.s32 $0x9400;
	s17 =	simm.s32 $0x3  }
0x6: {  	s18 =	simm.s32 $0x4;
	s4 =	sand.u32 $0x1, s1;
	s6 =	sshll.u32 s0, $0x1  }
0x7: {  	s19 =	simm.s32 $0x0;
	s1 =	rddreg [dreg:$0x2];
	s6 =	sor.u32 s4, s6  }
0x8: {  	[smem:$0x7FF] =	sst s3;
	s8 =	ssub.s32 $0x2, s4;
	s7 =	smul.u32 $0x680, s6  }
0x9: {  	_ =	strace $0x80000047;
	s4 =	smul.u32 $0x68, s6;
	s31 =	sshrl.u32 s8, $0x1  }
0xa: {  	s8 =	ssub.s32 s8, s31;
	s30 =	sadd.s32 s7, s5;
	s5 =	sadd.s32 $0xF42E00, s5  }
0xb: {  	s7 =	sor.u32 $0x1, s4;
	s8 =	smax.u32 s8, $0x1;
	s6 =	sadd.s32 $0xA00, s30  }
.LBB2_1:
0xc: {  	[tilespmem:s3], [sflag:$0x5] =	stream.linear.gather [hbm4b:s6+s3], $0x3400, $0x38;
	[tilespmem:$0xB400] =	vst v63  }
0xd: {  	_ =	swait.ge [sflag:s9], $0x3400  }
0xe: {  	[sflag:s9] =	ssyncset.done $0x0  }
0xf: {  	[sflag:s9] =	ssyncadd.s32 $0xFFFFCC00  }
0x10: {  	[tilespmem:s11], [sflag:$0x1] =	stream.indirect.gather [hbm4b:s5+s10], $0x40, s3, s10, $0xb8;
	[tilespmem:$0xB400] =	vst v63  }
0x11: {  	s20 =	simm.s32 $0x0  }
0x12: {  	[tilespmem:s12], [sflag:$0x2] =	stream.indirect.gather [hbm4b:s5+s10], $0x40, s10, s10, $0xb8;
	[tilespmem:$0xB400] =	vst v63  }
.LBB2_2:
0x13: {  	_ =	swait.ge [sflag:s13], $0x2000  }
0x14: {  	p1 =	seq.s32 s20, $0x0;
	[sflag:s13] =	ssyncset.done $0x0  }
0x15: {  	s21 =	simm.s32 @!p1 $0x3;
	[sflag:s13] =	ssyncadd.s32 $0xFFFFE000  }
0x16: {  	_ =	swait.ge @!p1 [sflag:s21], $0x2000  }
0x17: {  	[sflag:s21] =	ssyncset.done @!p1 $0x0  }
0x18: {  	s23 =	simm.s32 $0x0;
	[sflag:s21] =	ssyncadd.s32 @!p1 $0xFFFFE000  }
0x19: {  	v5 =	vld [tilespmem:s23+$0x3430];
	_ =	sdelay $0x1  }
0x1a: {  	v4 =	vld [tilespmem:s23+$0x3400]  }
0x1b: {  	v7 =	vld [tilespmem:s23+$0x3410]  }
0x1c: {  	v0 =	vld [tilespmem:s23+$0x3420]  }
0x1d: {  	v1 =	vsub.f32 $0.0e+00, v5  }
0x1e: {  	s22 =	simm.s32 $0x40  }
0x1f: {  	v3 =	vld [tilespmem:s22+$0x3430];
	v2 =	vsub.f32 $0.0e+00, v4;
	v1 =	vmul.f32 $1.442695020e+00, v1  }
0x20: {  	v8 =	vsub.f32 $0.0e+00, v7  }
0x21: {  	(erf) = vpow2.f32 v1;
	v1 =	vmul.f32 $1.442695020e+00, v2;
	v2 =	vsub.f32 $0.0e+00, v0  }
0x22: {  	v6 =	vld [tilespmem:s22+$0x3400];
	v8 =	vmul.f32 $1.442695020e+00, v8  }
0x23: {  	v9 =	vmul.f32 $1.442695020e+00, v2;
	(erf) = vpow2.f32 v1  }
0x24: {  	(erf) = vpow2.f32 v8;
	v8 =	vsub.f32 $0.0e+00, v3  }
0x25: {  	v1 =	vld [tilespmem:s22+$0x3410];
	(erf) = vpow2.f32 v9  }
0x26: {  	v2 =	vld [tilespmem:s22+$0x3420];
	v8 =	vmul.f32 $1.442695020e+00, v8  }
0x27: {  	v9 =	vsub.f32 $0.0e+00, v6;
	_ =	sdelay $0x1  }
0x28: {  	s24 =	simm.s32 $0x80;
	v9 =	vmul.f32 $1.442695020e+00, v9  }
0x29: {  	v11 =	vld [tilespmem:s24+$0x3430];
	(erf) = vpow2.f32 v8;
	v10 =	vsub.f32 $0.0e+00, v1;
	v8 =	vpop (erf)  }
0x2a: {  	v12 =	vsub.f32 $0.0e+00, v2;
	(erf) = vpow2.f32 v9;
	v9 =	vld [tilespmem:s24+$0x3410];
	v13 =	vadd.f32 $1.000000000e+00, v8  }
0x2b: {  	v14 =	vmul.f32 $1.442695020e+00, v10;
	v8 =	vld [tilespmem:s24+$0x3400];
	v15 =	vpop (erf)  }
0x2c: {  	v12 =	vmul.f32 $1.442695020e+00, v12;
	(erf) = vrcp.f32 v13;
	v13 =	vadd.f32 $1.000000000e+00, v15;
	v15 =	vpop (erf)  }
0x2d: {  	v10 =	vld [tilespmem:s24+$0x3420];
	(erf) = vpow2.f32 v14;
	v14 =	vadd.f32 $1.000000000e+00, v15;
	v15 =	vpop (erf)  }
0x2e: {  	(erf) = vpow2.f32 v12;
	v15 =	vadd.f32 $1.000000000e+00, v15  }
0x2f: {  	v16 =	vsub.f32 $0.0e+00, v9;
	v12 =	vsub.f32 $0.0e+00, v11;
	(erf) = vrcp.f32 v13  }
0x30: {  	v13 =	vsub.f32 $0.0e+00, v8;
	(erf) = vrcp.f32 v14  }
0x31: {  	v17 =	vmul.f32 $1.442695020e+00, v12;
	(erf) = vrcp.f32 v15  }
0x32: {  	v14 =	vsub.f32 $0.0e+00, v10;
	v13 =	vmul.f32 $1.442695020e+00, v13;
	v15 =	vpop (erf)  }
0x33: {  	s25 =	simm.s32 $0xC0;
	s26 =	simm.s32 $0x400;
	s21 =	sshll.u32 s20, $0x1;
	v12 =	vmul.f32 $1.442695020e+00, v16;
	(erf) = vpow2.f32 v17;
	v15 =	vadd.f32 $1.000000000e+00, v15;
	v16 =	vpop (erf)  }
.LBB2_3:
0x34: {  	v21 =	vmul.f32 $1.442695020e+00, v14;
	(erf) = vpow2.f32 v13;
	v13 =	vadd.f32 $1.000000000e+00, v16  }
0x35: {  	p0 =	sne.s32 s26, $0x7F00;
	v17 =	vld [tilespmem:s25+$0x3430];
	v16 =	vpop (erf);
	v18 =	vmov v0;
	v0 =	vmov v2;
	v2 =	vmov v10  }
0x36: {  	v19 =	vld [tilespmem:s25+$0x3400];
	v10 =	vpop (erf);
	(erf) = vrcp.f32 v15;
	v15 =	vmul.f32 v16, v5;
	v5 =	vmov v3  }
0x37: {  	v3 =	vmov v11;
	v16 =	vld [tilespmem:s25+$0x3410];
	(erf) = vpow2.f32 v12;
	v12 =	vadd.f32 $1.000000000e+00, v10;
	v20 =	vpop (erf)  }
0x38: {  	v10 =	vld [tilespmem:s25+$0x3420];
	(erf) = vpow2.f32 v21;
	v20 =	vadd.f32 $1.000000000e+00, v20;
	[tilespmem:s23+$0x7430] =	vst v15;
	v14 =	vpop (erf)  }
0x39: {  	(erf) = vrcp.f32 v13;
	v13 =	vmul.f32 v14, v4;
	v14 =	vpop (erf);
	v4 =	vmov v6  }
.Ltmp0:
0x3a: {  	v15 =	vsub.f32 $0.0e+00, v17;
	(erf) = vrcp.f32 v12;
	v14 =	vmul.f32 v14, v7;
	v6 =	vpop (erf);
	(pc) =	sbr.rel @p0 .LBB2_3-.Ltmp0, $4  }
0x3b: {  	v11 =	vmovc v17;
	v12 =	vsub.f32 $0.0e+00, v19;
	(erf) = vrcp.f32 v20;
	[tilespmem:s23+$0x7400] =	vst v13;
	v18 =	vmul.f32 v6, v18;
	v6 =	vmovc v8  }
0x3c: {  	v7 =	vmovc v1;
	v1 =	vmovc v9;
	v8 =	vmov v19;
	v17 =	vsub.f32 $0.0e+00, v16;
	v15 =	vmul.f32 $1.442695020e+00, v15;
	[tilespmem:s23+$0x7410] =	vst v14  }
0x3d: {  	v9 =	vmov v16;
	v13 =	vmul.f32 $1.442695020e+00, v12;
	v14 =	vsub.f32 $0.0e+00, v10;
	v19 =	vpop (erf);
	[tilespmem:s23+$0x7420] =	vst v18;
	s23 =	smov.u32 s22;
	s22 =	smov.u32 s24;
	s24 =	smov.u32 s25  }
0x3e: {  	s25 =	sshra.s32 s26, $0x2;
	s26 =	sadd.s32 $0x100, s26;
	v12 =	vmul.f32 $1.442695020e+00, v17;
	(erf) = vpow2.f32 v15;
	v15 =	vadd.f32 $1.000000000e+00, v19;
	v16 =	vpop (erf)  }
0x3f: {  	v17 =	vld [tilespmem:s25+$0x3430]  }
0x40: {  	v18 =	vld [tilespmem:s25+$0x3400];
	(erf) = vpow2.f32 v13;
	v13 =	vpop (erf);
	v14 =	vmul.f32 $1.442695020e+00, v14  }
0x41: {  	v16 =	vadd.f32 $1.000000000e+00, v16;
	v19 =	vpop (erf);
	(erf) = vrcp.f32 v15;
	v15 =	vld [tilespmem:s25+$0x3410]  }
0x42: {  	(erf) = vpow2.f32 v12;
	v19 =	vadd.f32 $1.000000000e+00, v19  }
0x43: {  	v12 =	vpop (erf);
	(erf) = vpow2.f32 v14  }
0x44: {  	v20 =	vld [tilespmem:s25+$0x3420];
	v12 =	vadd.f32 $1.000000000e+00, v12;
	v14 =	vpop (erf);
	(erf) = vrcp.f32 v16;
	v21 =	vsub.f32 $0.0e+00, v17  }
0x45: {  	v16 =	vpop (erf);
	v22 =	vsub.f32 $0.0e+00, v18;
	(erf) = vrcp.f32 v19  }
0x46: {  	v19 =	vpop (erf);
	(erf) = vrcp.f32 v12;
	v12 =	vsub.f32 $0.0e+00, v15;
	v21 =	vmul.f32 $1.442695020e+00, v21  }
0x47: {  	v22 =	vmul.f32 $1.442695020e+00, v22  }
0x48: {  	v23 =	vpop (erf);
	v12 =	vmul.f32 $1.442695020e+00, v12;
	(erf) = vpow2.f32 v21  }
0x49: {  	v24 =	vsub.f32 $0.0e+00, v20;
	v56 =	vadd.f32 $1.000000000e+00, v23  }
0x4a: {  	v57 =	vpop (erf);
	(erf) = vpow2.f32 v22  }
0x4b: {  	v58 =	vmul.f32 $1.442695020e+00, v24;
	v59 =	vpop (erf);
	(erf) = vrcp.f32 v56  }
0x4c: {  	(erf) = vpow2.f32 v12;
	v12 =	vpop (erf)  }
0x4d: {  	(erf) = vpow2.f32 v58;
	v60 =	vpop (erf)  }
0x4e: {  	v61 =	vpop (erf)  }
0x4f: {  	v22 =	vadd.f32 $1.000000000e+00, v57;
	v25 =	vpop (erf)  }
0x50: {  	v12 =	vadd.f32 $1.000000000e+00, v12;
	v26 =	vpop (erf)  }
0x51: {  	(erf) = vrcp.f32 v22;
	v27 =	vpop (erf)  }
0x52: {  	(erf) = vrcp.f32 v12;
	v12 =	vadd.f32 $1.000000000e+00, v27  }
0x53: {  	v23 =	vadd.f32 $1.000000000e+00, v60;
	v62 =	vpop (erf)  }
0x54: {  	v5 =	vmul.f32 v13, v5;
	v13 =	vpop (erf)  }
0x55: {  	v4 =	vmul.f32 v14, v4;
	(erf) = vrcp.f32 v23;
	v14 =	vadd.f32 $1.000000000e+00, v62;
	v63 =	vpop (erf)  }
0x56: {  	[tilespmem:s23+$0x7430] =	vst v5;
	v5 =	vmul.f32 v16, v7;
	(erf) = vrcp.f32 v12;
	v7 =	vadd.f32 $1.000000000e+00, v63;
	v12 =	vpop (erf)  }
0x57: {  	[tilespmem:s23+$0x7400] =	vst v4;
	v0 =	vmul.f32 v19, v0;
	(erf) = vrcp.f32 v14;
	v4 =	vadd.f32 $1.000000000e+00, v12  }
0x58: {  	[tilespmem:s23+$0x7410] =	vst v5;
	v3 =	vmul.f32 v59, v3;
	(erf) = vrcp.f32 v7  }
0x59: {  	[tilespmem:s23+$0x7420] =	vst v0;
	v0 =	vmul.f32 v61, v6;
	(erf) = vrcp.f32 v4  }
0x5a: {  	[tilespmem:s22+$0x7430] =	vst v3;
	v1 =	vmul.f32 v25, v1  }
0x5b: {  	[tilespmem:s22+$0x7400] =	vst v0;
	v0 =	vmul.f32 v26, v2  }
0x5c: {  	[tilespmem:s22+$0x7410] =	vst v1;
	v1 =	vmul.f32 v13, v11;
	v2 =	vpop (erf)  }
0x5d: {  	[tilespmem:s22+$0x7420] =	vst v0;
	v0 =	vmul.f32 v2, v8;
	v2 =	vpop (erf)  }
0x5e: {  	[tilespmem:s24+$0x7430] =	vst v1;
	v1 =	vmul.f32 v2, v9;
	v2 =	vpop (erf)  }
0x5f: {  	[tilespmem:s24+$0x7400] =	vst v0;
	v0 =	vmul.f32 v2, v10;
	v2 =	vpop (erf)  }
0x60: {  	[tilespmem:s24+$0x7410] =	vst v1;
	v1 =	vmul.f32 v2, v17;
	v2 =	vpop (erf)  }
0x61: {  	[tilespmem:s24+$0x7420] =	vst v0;
	v0 =	vmul.f32 v2, v18;
	v2 =	vpop (erf)  }
0x62: {  	p0 =	seq.s32 s20, $0x33;
	[tilespmem:s25+$0x7430] =	vst v1;
	v1 =	vmul.f32 v2, v15;
	v2 =	vpop (erf)  }
0x63: {  	s22 =	sshll.u32 @!p0 s20, $0x8;
	[tilespmem:s25+$0x7400] =	vst v0;
	v0 =	vmul.f32 v2, v20  }
0x64: {  	s31 =	sadd.s32 s4, s21;
	s22 =	sand.u32 @!p0 $0x3FFFFF00, s22;
	[tilespmem:s25+$0x7410] =	vst v1  }
0x65: {  	s23 =	sadd.s32 @!p0 $0x100, s22;
	s24 =	simm.s32 @!p0 $0x80;
	[tilespmem:s25+$0x7420] =	vst v0;
	s25 =	simm.s32 @!p0 $0x3400  }
0x66: {  	[tilespmem:s25], [sflag:$0x1] =	stream.indirect.gather @!p0 [hbm4b:s5+s24], $0x40, s23, s24, $0xb8;
	[tilespmem:$0xB400] =	vst v63  }
0x67: {  	s23 =	sshll.u32 s31, $0xA  }
0x68: {  	s23 =	sadd.s32 s2, s23  }
0x69: {  	[hbm4b:s23+s3] =	stream.linear.scatter [tilespmem:s14], [sflag:$0x3], $0x2000, $0x38;
	[tilespmem:$0xB400] =	vst v63  }
0x6a: {  	_ =	swait.ge [sflag:s15], $0x2000  }
0x6b: {  	[sflag:s15] =	ssyncset.done $0x0  }
0x6c: {  	s23 =	simm.s32 @!p1 $0x4;
	[sflag:s15] =	ssyncadd.s32 $0xFFFFE000  }
0x6d: {  	_ =	swait.ge @!p1 [sflag:s23], $0x2000  }
0x6e: {  	[sflag:s23] =	ssyncset.done @!p1 $0x0  }
0x6f: {  	s24 =	simm.s32 $0x0;
	[sflag:s23] =	ssyncadd.s32 @!p1 $0xFFFFE000  }
0x70: {  	v5 =	vld [tilespmem:s24+$0x5430];
	_ =	sdelay $0x1  }
0x71: {  	v4 =	vld [tilespmem:s24+$0x5400]  }
0x72: {  	v7 =	vld [tilespmem:s24+$0x5410]  }
0x73: {  	v0 =	vld [tilespmem:s24+$0x5420]  }
0x74: {  	v1 =	vsub.f32 $0.0e+00, v5  }
0x75: {  	s23 =	simm.s32 $0x40  }
0x76: {  	v3 =	vld [tilespmem:s23+$0x5430];
	v2 =	vsub.f32 $0.0e+00, v4;
	v1 =	vmul.f32 $1.442695020e+00, v1  }
0x77: {  	v8 =	vsub.f32 $0.0e+00, v7  }
0x78: {  	(erf) = vpow2.f32 v1;
	v1 =	vmul.f32 $1.442695020e+00, v2;
	v2 =	vsub.f32 $0.0e+00, v0  }
0x79: {  	v6 =	vld [tilespmem:s23+$0x5400];
	v8 =	vmul.f32 $1.442695020e+00, v8  }
0x7a: {  	v9 =	vmul.f32 $1.442695020e+00, v2;
	(erf) = vpow2.f32 v1  }
0x7b: {  	(erf) = vpow2.f32 v8;
	v8 =	vsub.f32 $0.0e+00, v3  }
0x7c: {  	v1 =	vld [tilespmem:s23+$0x5410];
	(erf) = vpow2.f32 v9  }
0x7d: {  	v2 =	vld [tilespmem:s23+$0x5420];
	v8 =	vmul.f32 $1.442695020e+00, v8  }
0x7e: {  	v9 =	vsub.f32 $0.0e+00, v6;
	_ =	sdelay $0x1  }
0x7f: {  	s25 =	simm.s32 $0x80;
	v9 =	vmul.f32 $1.442695020e+00, v9  }
0x80: {  	v11 =	vld [tilespmem:s25+$0x5430];
	(erf) = vpow2.f32 v8;
	v10 =	vsub.f32 $0.0e+00, v1;
	v8 =	vpop (erf)  }
0x81: {  	v12 =	vsub.f32 $0.0e+00, v2;
	(erf) = vpow2.f32 v9;
	v9 =	vld [tilespmem:s25+$0x5410];
	v13 =	vadd.f32 $1.000000000e+00, v8  }
0x82: {  	v14 =	vmul.f32 $1.442695020e+00, v10;
	v8 =	vld [tilespmem:s25+$0x5400];
	v15 =	vpop (erf)  }
0x83: {  	v12 =	vmul.f32 $1.442695020e+00, v12;
	(erf) = vrcp.f32 v13;
	v13 =	vadd.f32 $1.000000000e+00, v15;
	v15 =	vpop (erf)  }
0x84: {  	v10 =	vld [tilespmem:s25+$0x5420];
	(erf) = vpow2.f32 v14;
	v14 =	vadd.f32 $1.000000000e+00, v15;
	v15 =	vpop (erf)  }
0x85: {  	(erf) = vpow2.f32 v12;
	v15 =	vadd.f32 $1.000000000e+00, v15  }
0x86: {  	v16 =	vsub.f32 $0.0e+00, v9;
	v12 =	vsub.f32 $0.0e+00, v11;
	(erf) = vrcp.f32 v13  }
0x87: {  	v13 =	vsub.f32 $0.0e+00, v8;
	(erf) = vrcp.f32 v14  }
0x88: {  	v17 =	vmul.f32 $1.442695020e+00, v12;
	(erf) = vrcp.f32 v15  }
0x89: {  	v14 =	vsub.f32 $0.0e+00, v10;
	v13 =	vmul.f32 $1.442695020e+00, v13;
	v15 =	vpop (erf)  }
0x8a: {  	s26 =	simm.s32 $0xC0;
	s28 =	simm.s32 $0x400;
	v12 =	vmul.f32 $1.442695020e+00, v16;
	(erf) = vpow2.f32 v17;
	v15 =	vadd.f32 $1.000000000e+00, v15;
	v16 =	vpop (erf)  }
.LBB2_5:
0x8b: {  	v21 =	vmul.f32 $1.442695020e+00, v14;
	(erf) = vpow2.f32 v13;
	v13 =	vadd.f32 $1.000000000e+00, v16  }
0x8c: {  	p1 =	sne.s32 s28, $0x7F00;
	v17 =	vld [tilespmem:s26+$0x5430];
	v16 =	vpop (erf);
	v18 =	vmov v0;
	v0 =	vmov v2;
	v2 =	vmov v10  }
0x8d: {  	v19 =	vld [tilespmem:s26+$0x5400];
	v10 =	vpop (erf);
	(erf) = vrcp.f32 v15;
	v15 =	vmul.f32 v16, v5;
	v5 =	vmov v3  }
0x8e: {  	v3 =	vmov v11;
	v16 =	vld [tilespmem:s26+$0x5410];
	(erf) = vpow2.f32 v12;
	v12 =	vadd.f32 $1.000000000e+00, v10;
	v20 =	vpop (erf)  }
0x8f: {  	v10 =	vld [tilespmem:s26+$0x5420];
	(erf) = vpow2.f32 v21;
	v20 =	vadd.f32 $1.000000000e+00, v20;
	[tilespmem:s24+$0x9430] =	vst v15;
	v14 =	vpop (erf)  }
0x90: {  	(erf) = vrcp.f32 v13;
	v13 =	vmul.f32 v14, v4;
	v14 =	vpop (erf);
	v4 =	vmov v6  }
.Ltmp1:
0x91: {  	v15 =	vsub.f32 $0.0e+00, v17;
	(erf) = vrcp.f32 v12;
	v14 =	vmul.f32 v14, v7;
	v6 =	vpop (erf);
	(pc) =	sbr.rel @p1 .LBB2_5-.Ltmp1, $4  }
0x92: {  	v11 =	vmovc v17;
	v12 =	vsub.f32 $0.0e+00, v19;
	(erf) = vrcp.f32 v20;
	[tilespmem:s24+$0x9400] =	vst v13;
	v18 =	vmul.f32 v6, v18;
	v6 =	vmovc v8  }
0x93: {  	v7 =	vmovc v1;
	v1 =	vmovc v9;
	v8 =	vmov v19;
	v17 =	vsub.f32 $0.0e+00, v16;
	v15 =	vmul.f32 $1.442695020e+00, v15;
	[tilespmem:s24+$0x9410] =	vst v14  }
0x94: {  	v9 =	vmov v16;
	v13 =	vmul.f32 $1.442695020e+00, v12;
	v14 =	vsub.f32 $0.0e+00, v10;
	v19 =	vpop (erf);
	[tilespmem:s24+$0x9420] =	vst v18;
	s24 =	smov.u32 s23;
	s23 =	smov.u32 s25;
	s25 =	smov.u32 s26  }
0x95: {  	s26 =	sshra.s32 s28, $0x2;
	s28 =	sadd.s32 $0x100, s28;
	v12 =	vmul.f32 $1.442695020e+00, v17;
	(erf) = vpow2.f32 v15;
	v15 =	vadd.f32 $1.000000000e+00, v19;
	v16 =	vpop (erf)  }
0x96: {  	v17 =	vld [tilespmem:s26+$0x5430]  }
0x97: {  	v18 =	vld [tilespmem:s26+$0x5400]  }
0x98: {  	(erf) = vpow2.f32 v13;
	v59 =	vpop (erf)  }
0x99: {  	v14 =	vmul.f32 $1.442695020e+00, v14;
	v19 =	vpop (erf);
	(erf) = vrcp.f32 v15;
	v15 =	vld [tilespmem:s26+$0x5410]  }
0x9a: {  	v16 =	vadd.f32 $1.000000000e+00, v16;
	v20 =	vld [tilespmem:s26+$0x5420];
	(erf) = vpow2.f32 v12;
	v60 =	vpop (erf)  }
0x9b: {  	v19 =	vadd.f32 $1.000000000e+00, v19;
	(erf) = vpow2.f32 v14;
	v61 =	vpop (erf);
	v21 =	vsub.f32 $0.0e+00, v17  }
0x9c: {  	v12 =	vadd.f32 $1.000000000e+00, v60;
	(erf) = vrcp.f32 v16;
	v62 =	vpop (erf);
	v22 =	vsub.f32 $0.0e+00, v18  }
0x9d: {  	(erf) = vrcp.f32 v19;
	v63 =	vpop (erf);
	v21 =	vmul.f32 $1.442695020e+00, v21  }
0x9e: {  	(erf) = vrcp.f32 v12;
	v30 =	vsub.f32 $0.0e+00, v15;
	v22 =	vmul.f32 $1.442695020e+00, v22;
	v23 =	vpop (erf)  }
0x9f: {  	v24 =	vsub.f32 $0.0e+00, v20;
	(erf) = vpow2.f32 v21;
	v31 =	vadd.f32 $1.000000000e+00, v23  }
0xa0: {  	v12 =	vmul.f32 $1.442695020e+00, v30;
	(erf) = vpow2.f32 v22  }
0xa1: {  	v33 =	vmul.f32 $1.442695020e+00, v24;
	v32 =	vpop (erf);
	(erf) = vrcp.f32 v31  }
0xa2: {  	v34 =	vpop (erf);
	(erf) = vpow2.f32 v12  }
0xa3: {  	v35 =	vpop (erf);
	(erf) = vpow2.f32 v33  }
0xa4: {  	v36 =	vpop (erf)  }
0xa5: {  	v37 =	vpop (erf)  }
0xa6: {  	v25 =	vpop (erf)  }
0xa7: {  	v22 =	vadd.f32 $1.000000000e+00, v32;
	v26 =	vpop (erf)  }
0xa8: {  	v12 =	vadd.f32 $1.000000000e+00, v35;
	v27 =	vpop (erf)  }
0xa9: {  	v23 =	vadd.f32 $1.000000000e+00, v36;
	(erf) = vrcp.f32 v22;
	v38 =	vpop (erf)  }
0xaa: {  	v5 =	vmul.f32 v59, v5;
	(erf) = vrcp.f32 v12;
	v39 =	vadd.f32 $1.000000000e+00, v27;
	v40 =	vpop (erf)  }
0xab: {  	v4 =	vmul.f32 v61, v4;
	(erf) = vrcp.f32 v23;
	v41 =	vadd.f32 $1.000000000e+00, v38;
	v42 =	vpop (erf)  }
0xac: {  	[tilespmem:s24+$0x9430] =	vst v5;
	v43 =	vmul.f32 v62, v7;
	(erf) = vrcp.f32 v39;
	v44 =	vadd.f32 $1.000000000e+00, v42;
	v45 =	vpop (erf)  }
0xad: {  	[tilespmem:s24+$0x9400] =	vst v4;
	v0 =	vmul.f32 v63, v0;
	(erf) = vrcp.f32 v41;
	v46 =	vadd.f32 $1.000000000e+00, v45  }
0xae: {  	[tilespmem:s24+$0x9410] =	vst v43;
	v3 =	vmul.f32 v34, v3;
	(erf) = vrcp.f32 v44  }
0xaf: {  	[tilespmem:s24+$0x9420] =	vst v0;
	v47 =	vmul.f32 v37, v6;
	(erf) = vrcp.f32 v46  }
0xb0: {  	[tilespmem:s23+$0x9430] =	vst v3;
	v1 =	vmul.f32 v25, v1  }
0xb1: {  	[tilespmem:s23+$0x9400] =	vst v47;
	v48 =	vmul.f32 v26, v2  }
0xb2: {  	[tilespmem:s23+$0x9410] =	vst v1;
	v49 =	vmul.f32 v40, v11;
	v50 =	vpop (erf)  }
0xb3: {  	[tilespmem:s23+$0x9420] =	vst v48;
	v51 =	vmul.f32 v50, v8;
	v52 =	vpop (erf)  }
0xb4: {  	[tilespmem:s25+$0x9430] =	vst v49;
	v53 =	vmul.f32 v52, v9;
	v54 =	vpop (erf)  }
0xb5: {  	[tilespmem:s25+$0x9400] =	vst v51;
	v55 =	vmul.f32 v54, v10;
	v56 =	vpop (erf)  }
0xb6: {  	[tilespmem:s25+$0x9410] =	vst v53;
	v57 =	vmul.f32 v56, v17;
	v58 =	vpop (erf)  }
0xb7: {  	[tilespmem:s25+$0x9420] =	vst v55;
	v59 =	vmul.f32 v58, v18;
	v60 =	vpop (erf)  }
0xb8: {  	[tilespmem:s26+$0x9430] =	vst v57;
	v61 =	vmul.f32 v60, v15;
	v62 =	vpop (erf)  }
0xb9: {  	[tilespmem:s26+$0x9400] =	vst v59;
	v63 =	vmul.f32 v62, v20  }
0xba: {  	s22 =	sadd.s32 @!p0 $0x180, s22;
	[tilespmem:s26+$0x9410] =	vst v61  }
0xbb: {  	s20 =	sadd.s32 $0x1, s20;
	s24 =	simm.s32 @!p0 $0x5400;
	s23 =	simm.s32 @!p0 $0x80;
	[tilespmem:s26+$0x9420] =	vst v63  }
0xbc: {  	[tilespmem:s24], [sflag:$0x2] =	stream.indirect.gather @!p0 [hbm4b:s5+s23], $0x40, s22, s23, $0xb8;
	[tilespmem:$0xB400] =	vst v63  }
0xbd: {  	p0 =	sne.s32 s20, $0x34  }
.Ltmp2:
0xbe: {  	s21 =	sadd.s32 s21, s7;
	(pc) =	sbr.rel @p0 .LBB2_2-.Ltmp2, $4  }
0xbf: {  	s21 =	sshll.u32 s21, $0xA  }
0xc0: {  	s21 =	sand.u32 $0x1FFFFC00, s21  }
0xc1: {  	s21 =	sadd.s32 s2, s21  }
0xc2: {  	[hbm4b:s21+s3] =	stream.linear.scatter [tilespmem:s16], [sflag:$0x4], $0x2000, $0x38;
	[tilespmem:$0xB400] =	vst v63  }
0xc3: {  	s19 =	sadd.s32 $0x1, s19  }
0xc4: {  	_ =	swait.ge [sflag:s17], $0x2000;
	p0 =	sne.s32 s19, s8  }
.Ltmp3:
0xc5: {  	[sflag:s17] =	ssyncset.done $0x0;
	(pc) =	sbr.rel @p0 .LBB2_1-.Ltmp3, $4  }
0xc6: {  	[sflag:s17] =	ssyncadd.s32 $0xFFFFE000  }
0xc7: {  	_ =	swait.ge [sflag:s18], $0x2000  }
0xc8: {  	[sflag:s18] =	ssyncset.done $0x0  }
0xc9: {  	[sflag:s18] =	ssyncadd.s32 $0xFFFFE000  }
0xca: {  	_ =	sfence.sel $0x180000  }
0xcb: {  	[bflag:$0x0] =	sbarrier.arrive $0xFFFF  }
0xcc: {  	p0 =	sne.s32 s0, $0x0;
	_ =	strace $0x90000047  }
0xcd: {  	s0 =	sadd.s32 @!p0 $0x100000, s1;
	[bflag:$0x2] =	sbarrier.arrive $0xFFFF  }
0xce: {  	[sflag:s0] =	ssyncadd.tile.s32 @!p0 $0x1;
	_ =	shalt  }
.Lfunc_end2:
_tile_overlayer_lowered:
.L_overlay_start_2:
0xcf: {  	(tag) =	ssettag $0x2  }
0xd0: {  	s0 =	rddreg [dreg:$0x0];
	s2 =	stileid.u32  }
0xd1: {  	s1 =	rddreg [dreg:$0x1];
	p0 =	sne.s32 s2, $0x0  }
0xd2: {  	s3 =	rddreg [dreg:$0x2];
	[bflag:$0x3] =	sbarrier.arrive $0xFFFF;
	s2 =	simm.s32 @!p0 $0x1C05  }
0xd3: {  	[timem:s3], [sflag:s2] =	dma.local @!p0 [hbm:s0], s1  }
0xd4: {  	s0 =	simm.s32 @!p0 $0x5  }
0xd5: {  	_ =	swait.ge @!p0 [sflag:s0], s1  }
0xd6: {  	s1 =	ssub.s32 @!p0 $0x0, s1;
	[sflag:s0] =	ssyncset.done @!p0 $0x0  }
0xd7: {  	[sflag:s0] =	ssyncadd.s32 @!p0 s1  }
0xd8: {  	[bflag:$0x3] =	sbarrier.arrive $0xFFFF  }
0xd9: {  	_ =	shalt  }

// kernel: sparse-core-data-format-call.cloned.1.call-start
scs
called_computation_lowered:
.L_overlay_start_0:
0x0: {  	s2 =	sld [smem:$0x3FD9]  }
0x1: {  	s3 =	sld [smem:$0x3FFE];
	_ =	sdelay $0x1  }
0x2: {  	s1 =	srdreg.scid  }
0x3: {  	s0 =	sand.u32 $0x1, s1  }
0x4: {  	s18 =	sshll.u32 s0, $0xA;
	s2 =	sadd.s32 s3, s2  }
0x5: {  	s2 =	sadd.s32 s2, s18  }
0x6: {  	[smem:$0x3FC6] =	sst s2  }
0x7: {  	_ = 	snop  }
0x8: {  	s2 =	sld [smem:$0x3FD0];
	(tm) =	ssettm $0x1  }
0x9: {  	s19 =	sld [smem:$0x3FFB];
	_ =	sdelay $0x3  }
0xa: {  	_ =	strace s19  }
0xb: {  	s3 =	sld [smem:$0x3FFC];
	_ =	sdelay $0x3  }
0xc: {  	_ =	strace s3  }
0xd: {  	s3 =	sld [smem:$0x3FFD];
	_ =	sdelay $0x3  }
0xe: {  	_ =	strace s3  }
0xf: {  	_ =	strace $0x8FFFFFFF  }
0x10: {  	s20 =	sld [smem:$0x3FDB];
	_ =	sdelay $0x1  }
0x11: {  	s4 =	simm.s32 $_scs_section_size  }
0x12: {  	s5 =	simm.s32 $_size__tile_overlayer_lowered;
	s6 =	simm.s32 $_tile_overlayer_lowered  }
0x13: {  	s23 =	simm.s32 $0x1BFF;
	s22 =	sshll.u32 s6, $0x1;
	s3 =	sadd.s32 s4, s20  }
0x14: {  	s7 =	simm.s32 $0x0;
	s21 =	sshll.u32 s5, $0x1;
	s5 =	sadd.s32 s22, s3  }
0x15: {  	[timem:s7], [sflag:s23] =	dma.local [hbm:s5], s21  }
0x16: {  	_ =	swait.ge [sflag:s23], s21  }
0x17: {  	s4 =	ssub.s32 $0x0, s21;
	[sflag:s23] =	ssyncset.done $0x0  }
0x18: {  	[sflag:s23] =	ssyncadd.s32 s4;
	_ =	sdelay $0x1  }
0x19: {  	s24 =	simm.s32 $0x1B8B  }
0x1a: {  	_ =	swait.ge [sflag:s24], $0x1  }
0x1b: {  	[sflag:s24] =	ssyncset.done $0x0  }
0x1c: {  	s26 =	simm.s32 $0x1B8E;
	s25 =	sld [smem:$0x3FFE];
	[sflag:s24] =	ssyncadd.s32 $0xFFFFFFFF  }
0x1d: {  	s27 =	simm.s32 $execute0_lowered;
	[smem:$0x3FD2] =	sst s26  }
0x1e: {  	s5 =	sshll.u32 s27, $0x1;
	_ =	strace $0x80000049;
	[dreg:$0x1] =	wrdreg $0xFFFFFFFF  }
0x1f: {  	s28 =	simm.s32 $_size_execute0_lowered;
	s3 =	sadd.s32 s3, s5;
	[dreg:$0x0] =	wrdreg $0x0  }
0x20: {  	s5 =	sshll.u32 s28, $0x1;
	[dreg:$0x2] =	wrdreg s3  }
0x21: {  	[dreg:$0x3] =	wrdreg s5  }
0x22: {  	[dreg:$0x4] =	wrdreg $0xC0  }
0x23: {  	_ =	task [dreg:s7], $0x5FFFF  }
0x24: {  	[dreg:$0x1] =	wrdreg $0xFFFFFFFF  }
0x25: {  	[dreg:$0x0] =	wrdreg $0x60  }
0x26: {  	[dreg:$0x2] =	wrdreg s25  }
0x27: {  	[dreg:$0x3] =	wrdreg s2  }
0x28: {  	[dreg:$0x4] =	wrdreg $0x9  }
0x29: {  	_ =	task.clear_ibuf [dreg:s7], $0x5FFFF;
	_ =	strace $0x90000049  }
0x2a: {  	s29 =	simm.s32 $0x9;
	_ =	strace $0x8000004B  }
0x2b: {  	_ =	swait.ge [sflag:s29], $0x1  }
0x2c: {  	[sflag:s29] =	ssyncadd.s32 $0xFFFFFFFF  }
0x2d: {  	_ =	strace $0x9000004B  }
0x2e: {  	_ =	sfence  }
0x2f: {  	s30 =	sld [smem:$0x0];
	_ =	sdelay $0x2  }
0x30: {  	s31 =	sshll.u32 s1, $0xD;
	s1 =	sshrl.u32 s1, $0x2  }
0x31: {  	s3 =	sand.u32 $0x4000, s31;
	s1 =	sadd.s32 s1, s30  }
0x32: {  	s0 =	sor.u32 s3, s0;
	s1 =	sshll.u32 s1, $0x11  }
0x33: {  	s0 =	sor.u32 s1, s0  }
0x34: {  	s0 =	sadd.s32 $0x8F2B, s0  }
0x35: {  	[sflag:s0] =	ssyncadd.remote.s32 $0x1  }
0x36: {  	_ =	sfence.sel $0xFFFF  }
0x37: {  	[dreg:$0x0] =	wrdreg $0xFFFFFFFF;
	(pc) =	sbr.abs _section_cstart, $3  }
0x38: {  	[dreg:$0x1] =	wrdreg $0xFFFFFFFF  }
0x39: {  	_ =	task.clear_ibuf [dreg:s7], $0x2FFFF;
	_ =	strace $0x9FFFFFFF  }
0x3a: {  	(tm) =	ssettm $0x7FFFFFFF  }
0x3b: {  	_ =	shalt  }
tec
execute0_lowered:
.L_overlay_start_1:
0x0: {  	(tag) =	ssettag $0x1  }
0x1: {  	s0 =	srdreg.scid  }
0x2: {  	s1 =	sshll.u32 s0, $0x4  }
0x3: {  	s0 =	stileid.u32;
	s1 =	sand.u32 $0x10, s1  }
0x4: {  	s1 =	sor.u32 s0, s1  }
0x5: {  	s6 =	rddreg [dreg:$0x0];
	s4 =	simm.s32 $0x1;
	s2 =	sshll.u32 s1, $0x7  }
0x6: {  	s7 =	simm.s32 $0x2;
	s12 =	simm.s32 $0x0;
	s1 =	ssub.s32 $0x4000, s2  }
0x7: {  	s8 =	simm.s32 $0x20000;
	s13 =	simm.s32 $0x0;
	s3 =	sand.u32 $0xF80, s1  }
0x8: {  	s9 =	simm.s32 $0x0;
	s5 =	sshrl.u32 s1, $0xC;
	p0 =	sne.s32 s3, $0x0  }
.Ltmp0:
0x9: {  	s1 =	rddreg [dreg:$0x2];
	s4 =	simm.s32 @!p0 $0x0;
	(pc) =	sbr.rel .LBB1_1-.Ltmp0, $4  }
0xa: {  	s11 =	simm.s32 $0x0;
	s3 =	rddreg [dreg:$0x1];
	s5 =	sadd.s32 s4, s5  }
0xb: {  	_ =	strace $0x8000004A;
	s4 =	simm.s32 $0x1;
	s5 =	smul.u32 $0x1A, s5  }
0xc: {  	s6 =	sadd.s32 $0xA00, s6;
	s10 =	smov.u32 s2;
	[sflag:s4] =	ssyncpa.u1 $0x0  }
0xd: {  	p0 =	por $0x0, $0x0;
	[sflag:s7] =	ssyncpa.u1 $0x0;
	s7 =	sor.u32 $0x1, s5  }
.LBB1_4:
0xe: {  	s16 =	sshll.u32 s13, $0x3;
	s17 =	sand.u32 $0x78, s13  }
0xf: {  	s30 =	sand.u32 $0x1F800, s13;
	s12 =	sshll.u32 s12, $0x11;
	s16 =	sand.u32 $0x3C00, s16  }
0x10: {  	[tilespmem:s15+$0x810 ss:$0x81] =	vst.msk $0xffff, v2;
	s31 =	sand.u32 $0x7, s13;
	s16 =	sor.u32 s17, s16;
	s17 =	sadd.s32 s3, s30  }
0x11: {  	[tilespmem:s15+$0x1020 ss:$0x81] =	vst.msk $0xffff, v0;
	s13 =	sshll.u32 s31, $0x12;
	s12 =	sadd.s32 s12, s17;
	s16 =	sshrl.u32 s16, $0x3  }
0x12: {  	[tilespmem:s15+$0x0 ss:$0x81] =	vst.msk $0xffff, v1;
	s13 =	sor.u32 $0x400, s13;
	s12 =	sadd.s32 s16, s12  }
0x13: {  	[hbm4b:s12+s13] =	stream.strided.scatter [tilespmem:s14], [sflag:$0x2], $0x2000, s8, s13, $0x20;
	[tilespmem:$0x8080] =	vst v63  }
.LBB1_5:
0x14: {  	s14 =	sadd.s32 $0x1, s9  }
0x15: {  	s12 =	sadd.s32 $0x1000, s10;
	s16 =	smov.u32 s10;
	p2 =	sgt.s32 s14, $0x19  }
0x16: {  	s16 =	smov.u32 @p2 s12  }
0x17: {  	s14 =	simm.s32 @p2 $0x0;
	p2 =	sgt.s32 s16, $0x3FFF  }
0x18: {  	s16 =	smov.u32 @p2 s2;
	p2 =	sne.s32 s11, s7  }
.Ltmp1:
0x19: {  	p1 =	slt.u32 s11, $0x2;
	(pc) =	sbr.rel @!p2 .LBB1_6-.Ltmp1, $4  }
0x1a: {  	s15 =	simm.s32 @!p1 $0x2  }
0x1b: {  	s13 =	smov.u32 s10;
	p0 =	por !p0, !p0;
	_ =	swait.ge @!p1 [sflag:s15], $0x2000  }
0x1c: {  	s12 =	smov.u32 s9;
	[sflag:s15] =	ssyncset.done @!p1 $0x0;
	s9 =	smov.u32 s14  }
0x1d: {  	s11 =	sadd.s32 $0x1, s11;
	[sflag:s15] =	ssyncadd.s32 @!p1 $0xFFFFE000;
	s10 =	smov.u32 s16  }
.LBB1_1:
0x1e: {  	p1 =	sge.u32 s11, s5  }
0x1f: {  	s31 =	sadd.s32 $0xFFFFFFFF, s11;
	s14 =	sxor.u32 @!p1 $0xFFFFFFFF, s11  }
0x20: {  	s15 =	sshll.u32 @!p1 s10, $0x9;
	s16 =	sshll.u32 @!p1 s9, $0x4;
	s17 =	simm.s32 @!p1 $0x1000  }
0x21: {  	s14 =	sshll.u32 @!p1 s14, $0xD;
	s16 =	sand.u32 @!p1 $0x1F0, s16;
	s15 =	sadd.s32 @!p1 s6, s15  }
0x22: {  	s14 =	sand.u32 @!p1 $0x2000, s14;
	s15 =	sadd.s32 @!p1 s16, s15;
	s16 =	simm.s32 @!p1 $0x40  }
0x23: {  	[tilespmem:s14], [sflag:$0x1] =	stream.strided.gather @!p1 [hbm4b:s15+s16], $0x2000, s17, s16, $0x38;
	[tilespmem:$0x8080] =	vst v63  }
0x24: {  	p1 =	sge.u32 s31, s5  }
.Ltmp2:
0x25: {  	_ = 	snop;
	(pc) =	sbr.rel @p1 .LBB1_5-.Ltmp2, $1  }
0x26: {  	_ =	sdelay $0x3  }
0x27: {  	s14 =	simm.s32 $0x1  }
0x28: {  	_ =	swait.ge [sflag:s4], $0x2000;
	s14 =	simm.s32 @!p0 $0x0  }
0x29: {  	[sflag:s4] =	ssyncset.done $0x0;
	s15 =	sshll.u32 s14, $0xD  }
0x2a: {  	[sflag:s4] =	ssyncadd.s32 $0xFFFFE000;
	s18 =	sor.u32 $0x20, s15  }
0x2b: {  	s14 =	smul.u32 $0x8100, s14;
	v3 =	vld [tilespmem:s18+$0x10]  }
0x2c: {  	s30 =	sand.u32 $0x1, s11;
	v2 =	vld [tilespmem:s18+$0xFFFFFFF0]  }
0x2d: {  	s15 =	smul.u32 $0x8100, s30;
	s14 =	sshrl.u32 s14, $0x2;
	v0 =	vld [tilespmem:s18+$0x0]  }
0x2e: {  	v1 =	vld [tilespmem:s18+$0xFFFFFFE0];
	s16 =	sor.u32 $0x4000, s14  }
0x2f: {  	s31 =	sshrl.u32 s15, $0x2;
	s15 =	sadd.s32 $0x0, s16  }
0x30: {  	s17 =	simm.s32 $0x4;
	s18 =	sadd.s32 $0x40, s18;
	s14 =	sor.u32 $0x4000, s31;
	[tilespmem:s15+$0x1830 ss:$0x81] =	vst.msk $0xffff, v3  }
.LBB1_3:
0x31: {  	v3 =	vld [tilespmem:s18+$0x10];
	p1 =	sne.s32 s17, $0x1FC;
	[tilespmem:s15+$0x810 ss:$0x81] =	vst.msk $0xffff, v2;
	s19 =	smov.u32 s17;
	s17 =	sadd.s32 $0x4, s17  }
.Ltmp3:
0x32: {  	v2 =	vld [tilespmem:s18+$0xFFFFFFF0];
	[tilespmem:s15+$0x1020 ss:$0x81] =	vst.msk $0xffff, v0;
	(pc) =	sbr.rel @p1 .LBB1_3-.Ltmp3, $4  }
0x33: {  	v0 =	vld [tilespmem:s18+$0x0];
	[tilespmem:s15+$0x0 ss:$0x81] =	vst.msk $0xffff, v1  }
0x34: {  	s15 =	sshra.s32 s19, $0x2;
	v1 =	vld [tilespmem:s18+$0xFFFFFFE0]  }
0x35: {  	s15 =	sadd.s32 s15, s16  }
0x36: {  	s18 =	sadd.s32 $0x40, s18;
	[tilespmem:s15+$0x1830 ss:$0x81] =	vst.msk $0xffff, v3  }
.Ltmp4:
0x37: {  	_ = 	snop;
	(pc) =	sbr.rel .LBB1_4-.Ltmp4, $1  }
0x38: {  	_ =	sdelay $0x3  }
.LBB1_6:
0x39: {  	_ =	sfence.sel $0x180000  }
0x3a: {  	s2 =	simm.s32 $0x1;
	[bflag:$0x0] =	sbarrier.arrive $0xFFFF  }
0x3b: {  	s31 =	simm.s32 $0x2;
	[sflag:s2] =	ssyncpa.u1 $0x1  }
0x3c: {  	[sflag:s31] =	ssyncpa.u1 $0x1  }
0x3d: {  	p0 =	sne.s32 s0, $0x0;
	_ =	strace $0x9000004A  }
0x3e: {  	s0 =	sadd.s32 @!p0 $0x100000, s1;
	[bflag:$0x2] =	sbarrier.arrive $0xFFFF  }
0x3f: {  	[sflag:s0] =	ssyncadd.tile.s32 @!p0 $0x1;
	_ =	shalt  }
.Lfunc_end1:
_tile_overlayer_lowered:
.L_overlay_start_2:
0x40: {  	(tag) =	ssettag $0x2  }
0x41: {  	s0 =	rddreg [dreg:$0x0];
	s2 =	stileid.u32  }
0x42: {  	s1 =	rddreg [dreg:$0x1];
	p0 =	sne.s32 s2, $0x0  }
0x43: {  	s3 =	rddreg [dreg:$0x2];
	[bflag:$0x3] =	sbarrier.arrive $0xFFFF;
	s2 =	simm.s32 @!p0 $0x1C01  }
0x44: {  	[timem:s3], [sflag:s2] =	dma.local @!p0 [hbm:s0], s1  }
0x45: {  	s0 =	simm.s32 @!p0 $0x1  }
0x46: {  	_ =	swait.ge @!p0 [sflag:s0], s1  }
0x47: {  	s1 =	ssub.s32 @!p0 $0x0, s1;
	[sflag:s0] =	ssyncset.done @!p0 $0x0  }
0x48: {  	[sflag:s0] =	ssyncadd.s32 @!p0 s1  }
0x49: {  	[bflag:$0x3] =	sbarrier.arrive $0xFFFF  }
0x4a: {  	_ =	shalt  }

</sc_bundles>
